<compile_context>
chip_gen: v7x
topology: tpu7x:2x2x1
jax: 0.10.2.dev20260603
libtpu: 0.0.44.dev20260713+nightly
codegen_flags: <defaults>
</compile_context>

<pallas_src>
import functools
import math

import jax
import jax.numpy as jnp
from jax import lax
from jax.experimental import pallas as pl
from jax.experimental.pallas import tpu as pltpu
from jax.experimental.pallas import tpu_sc as plsc

_SPARSITY = 0.05
_L = 16
_NC = 2
_NS = 16
_NW = _NC * _NS

_IMIN = -2147483648
_SIGN = -2147483648

_BLOCK_M = 8


def _suffix(v):
    return lax.rev(plsc.cumsum(lax.rev(v, (0,))), (0,))


def _cross(g, ga, r):
    return ((g >= r) & (ga < r)).astype(jnp.int32)


def _scan4096(hist, r, iota, zeros):
    seg_stride = iota * 256

    def l0(j, seg):
        return seg + plsc.load_gather(hist, [seg_stride + j])

    seg = lax.fori_loop(0, 256, l0, zeros)
    rc = _suffix(seg)
    ga = rc - seg
    ci = _cross(rc, ga, r)
    s1 = jnp.sum(ci * iota)
    t1 = jnp.sum(ci * ga)

    base1 = s1 * 256

    def l1(m, sub):
        return sub + plsc.load_gather(hist, [base1 + iota * _L + m])

    sub = lax.fori_loop(0, _L, l1, zeros)
    rc2 = t1 + _suffix(sub)
    ga2 = rc2 - sub
    ci2 = _cross(rc2, ga2, r)
    s2 = jnp.sum(ci2 * iota)
    t2 = jnp.sum(ci2 * ga2)

    base2 = base1 + s2 * _L
    h = plsc.load_gather(hist, [base2 + iota])
    rc3 = t2 + _suffix(h)
    ga3 = rc3 - h
    ci3 = _cross(rc3, ga3, r)
    b = jnp.sum(ci3 * (base2 + iota))
    return b, jnp.sum(ci3 * ga3), jnp.sum(ci3 * h)


def _scan256(hist, r, iota, zeros):
    seg_stride = iota * _L

    def l0(j, seg):
        return seg + plsc.load_gather(hist, [seg_stride + j])

    seg = lax.fori_loop(0, _L, l0, zeros)
    rc = _suffix(seg)
    ga = rc - seg
    ci = _cross(rc, ga, r)
    s1 = jnp.sum(ci * iota)
    t1 = jnp.sum(ci * ga)

    h = plsc.load_gather(hist, [s1 * _L + iota])
    rc2 = t1 + _suffix(h)
    ga2 = rc2 - h
    ci2 = _cross(rc2, ga2, r)
    b = jnp.sum(ci2 * (s1 * _L + iota))
    return jnp.sum(ci2), b, jnp.sum(ci2 * ga2)


def _sc_body(x_hbm, o_hbm, xbuf, kbuf, hist, mbs, *, n, k, rows_per_worker):
    wid = lax.axis_index("s") * _NC + lax.axis_index("c")
    iota = lax.iota(jnp.int32, _L)
    zeros = iota * 0
    ones = zeros + 1
    nchunks = n // _L

    def zero_hist(nbkt):
        def z(i, _):
            hist[pl.ds(i * _L, _L)] = zeros
            return 0

        lax.fori_loop(0, nbkt // _L, z, 0)

    zero_hist(4096)

    for rr in range(rows_per_worker):
        row = wid * rows_per_worker + rr
        pltpu.sync_copy(x_hbm.at[row], xbuf)

        def p1(i, _):
            for u in range(8):
                sl = pl.ds(i * 128 + u * _L, _L)
                b = lax.bitcast_convert_type(xbuf[sl], jnp.int32)
                bk = b ^ (lax.shift_right_arithmetic(b, 31) | _SIGN)
                kbuf[sl] = bk
                plsc.addupdate_scatter(
                    hist, [lax.shift_right_logical(bk, 20)], ones
                )
            return 0

        lax.fori_loop(0, nchunks // 8, p1, 0)

        b1, ca1, n1 = _scan4096(hist, jnp.int32(k), iota, zeros)
        zero_hist(4096)

        mbs[pl.ds(0, _L)] = zeros + _IMIN

        @pl.when(ca1 + n1 == k)
        def _():
            def pmb(i, m):
                for u in range(8):
                    bk = kbuf[pl.ds(i * 128 + u * _L, _L)]
                    ub = lax.shift_right_logical(bk, 20)
                    m = jnp.maximum(m, jnp.where(ub < b1, bk ^ _SIGN, _IMIN))
                return m

            mbs[pl.ds(0, _L)] = lax.fori_loop(
                0, nchunks // 8, pmb, zeros + _IMIN
            )

        def p2(i, off):
            for u in range(8):
                bk = kbuf[pl.ds(i * 128 + u * _L, _L)]
                match = lax.shift_right_logical(bk, 20) == b1
                plsc.store_scatter(kbuf, [iota + off * _L], bk, mask=match)
                off = off + match
            return off

        off16 = lax.fori_loop(0, nchunks // 8, p2, zeros)
        len_max = jnp.max(off16)

        def p3(i, _):
            bk = plsc.load_gather(kbuf, [iota + i * _L])
            ub2 = lax.shift_right_logical(bk, 8) & 0xFFF
            plsc.addupdate_scatter(hist, [ub2], ones, mask=i < off16)
            return 0

        lax.fori_loop(0, len_max, p3, 0)

        r1 = k - ca1
        b2, ca2, n2 = _scan4096(hist, r1, iota, zeros)

        def p3z(i, _):
            bk = plsc.load_gather(kbuf, [iota + i * _L])
            ub2 = lax.shift_right_logical(bk, 8) & 0xFFF
            plsc.store_scatter(hist, [ub2], zeros, mask=i < off16)
            return 0

        lax.fori_loop(0, len_max, p3z, 0)

        def p4(i, mb):
            bk = plsc.load_gather(kbuf, [iota + i * _L])
            valid = i < off16
            ub2 = lax.shift_right_logical(bk, 8) & 0xFFF
            mb = jnp.maximum(
                mb, jnp.where(valid & (ub2 < b2), bk ^ _SIGN, _IMIN)
            )
            plsc.addupdate_scatter(
                hist, [bk & 0xFF], ones, mask=valid & (ub2 == b2)
            )
            return mb

        mb2f = lax.fori_loop(0, len_max, p4, zeros + _IMIN)

        r2 = r1 - ca2
        _, lo_k, _ = _scan256(hist, r2, iota, zeros)
        fnd_k1, lo_k1, _ = _scan256(hist, r2 + 1, iota, zeros)

        def p4z(i, _):
            bk = plsc.load_gather(kbuf, [iota + i * _L])
            valid = i < off16
            ub2 = lax.shift_right_logical(bk, 8) & 0xFFF
            plsc.store_scatter(
                hist, [bk & 0xFF], zeros, mask=valid & (ub2 == b2)
            )
            return 0

        lax.fori_loop(0, len_max, p4z, 0)

        prefix = (b1 << 20) | (b2 << 8)
        bk_k = prefix | lo_k
        mbf = jnp.maximum(jnp.max(mbs[pl.ds(0, _L)]), jnp.max(mb2f))
        bk_k1 = jnp.where(fnd_k1 > 0, prefix | lo_k1, mbf ^ _SIGN)

        def unkey(s):
            t = lax.shift_right_arithmetic(s, 31)
            return lax.bitcast_convert_type(s ^ ((t ^ -1) | _SIGN), jnp.float32)

        thr = (unkey(bk_k) + unkey(bk_k1)) * jnp.float32(0.5)

        def p5(i, _):
            for u in range(8):
                sl = pl.ds(i * 128 + u * _L, _L)
                v = xbuf[sl]
                xbuf[sl] = jnp.where(v > thr, jnp.float32(1.0), jnp.float32(0.0))
            return 0

        lax.fori_loop(0, nchunks // 8, p5, 0)

        pltpu.sync_copy(xbuf, o_hbm.at[row])


def _sc_half(x, k, ms):
    _, n = x.shape
    rows_per_worker = ms // _NW
    mesh = plsc.VectorSubcoreMesh(
        core_axis_name="c", subcore_axis_name="s", num_cores=_NC, num_subcores=_NS
    )
    body = functools.partial(_sc_body, n=n, k=k, rows_per_worker=rows_per_worker)
    return pl.kernel(
        body,
        out_type=jax.ShapeDtypeStruct((ms, n), jnp.float32),
        mesh=mesh,
        compiler_params=pltpu.CompilerParams(needs_layout_passes=False),
        scratch_types=[
            pltpu.VMEM((n,), jnp.float32),
            pltpu.VMEM((n,), jnp.int32),
            pltpu.VMEM((4096,), jnp.int32),
            pltpu.VMEM((_L,), jnp.int32),
        ],
    )(x)


def _order_key_u32(x):
    b = lax.bitcast_convert_type(x, jnp.int32)
    flip = lax.shift_right_arithmetic(b, 31) | jnp.int32(_SIGN)
    return lax.bitcast_convert_type(b ^ flip, jnp.uint32)


def _key_to_f32(u):
    ui = lax.bitcast_convert_type(u, jnp.int32)
    flip = ~lax.shift_right_arithmetic(ui, 31) | jnp.int32(_SIGN)
    return lax.bitcast_convert_type(ui ^ flip, jnp.float32)


def _kwta_block(x_ref, o_ref, *, k):
    x = x_ref[...]
    ukey = _order_key_u32(x)
    m = x.shape[0]
    zero = jnp.zeros((m, 1), jnp.uint32)

    def body(i, t1):
        bit = jnp.uint32(31) - jnp.uint32(i)
        c1 = t1 | lax.shift_left(jnp.uint32(1), bit)
        n1 = jnp.sum((ukey >= c1).astype(jnp.int32), axis=1, keepdims=True)
        return jnp.where(n1 >= k, c1, t1)

    t1 = lax.fori_loop(0, 32, body, zero)
    ski = lax.bitcast_convert_type(ukey, jnp.int32) ^ jnp.int32(_SIGN)
    t1i = lax.bitcast_convert_type(t1, jnp.int32) ^ jnp.int32(_SIGN)
    cnt = jnp.sum((ski >= t1i).astype(jnp.int32), axis=1, keepdims=True)
    m2 = jnp.max(
        jnp.where(ski < t1i, ski, jnp.int32(_IMIN)), axis=1, keepdims=True
    )
    m2u = lax.bitcast_convert_type(m2 ^ jnp.int32(_SIGN), jnp.uint32)
    t2 = jnp.where(cnt >= k + 1, t1, m2u)
    thr = (_key_to_f32(t1) + _key_to_f32(t2)) * jnp.float32(0.5)
    o_ref[...] = (x > thr).astype(jnp.float32)


def _tc_half(x, k, ms):
    m, n = x.shape
    off = ms // _BLOCK_M
    grid = ((m - ms) // _BLOCK_M,)
    return pl.pallas_call(
        lambda x_ref, o_ref: _kwta_block(x_ref, o_ref, k=k),
        grid=grid,
        in_specs=[pl.BlockSpec((_BLOCK_M, n), lambda i: (i + off, 0))],
        out_specs=pl.BlockSpec((_BLOCK_M, n), lambda i: (i, 0)),
        out_shape=jax.ShapeDtypeStruct((m - ms, n), jnp.float32),
    )(x)


def kernel(x):
    m, n = x.shape
    k = math.ceil(_SPARSITY * n)
    ms = (m // 4) // _NW * _NW
    if ms == 0:
        return _tc_half(x, k, 0)
    sc_out = _sc_half(x, k, ms)
    tc_out = _tc_half(x, k, ms)
    return jnp.concatenate([sc_out, tc_out], axis=0)

# --- scband reference (transcript-rebuilt; emitter-appended) ---
"""Pipeline reference for scband-kwinners-take-all-86801289052830 (READ-ONLY COPY).

The authoritative reference and input builder live on the scoring server;
editing this copy changes nothing except your own understanding.
"""

import math
import jax, jax.numpy as jnp
import numpy as np

SPARSITY = 0.05

def setup_inputs(seed: int = 0) -> dict:
    key = jax.random.key(seed)
    x = jax.random.normal(key, (128, 32768), dtype=jnp.float32)
    return {"x": x}

def _kwta_threshold(x2d, sparsity):
    k_active = math.ceil(sparsity * x2d.shape[1])
    x_sorted = -jnp.sort(-x2d, axis=1)  # descending
    threshold = (x_sorted[:, k_active - 1] + x_sorted[:, k_active]) * 0.5
    return threshold[:, None]

def reference(x):
    # KWinnersTakeAll.forward with connect_lateral=False -> forward_kwta
    orig_shape = x.shape
    x2d = x.reshape(x.shape[0], -1)
    threshold = _kwta_threshold(x2d, SPARSITY)
    mask_active = (x2d > threshold).astype(jnp.float32)
    return mask_active.reshape(orig_shape)

if __name__ == "__main__":
    import jax
    _d = setup_inputs()
    print(jax.jit(kernel)(*tuple(_d.values())))

</pallas_src>

<mosaic_0001>
#map = affine_map<(d0, d1) -> (0, 0)>
module attributes {stable_mosaic.version = 14 : i64} {
  func.func @_sc_body(%arg0: i32, %arg1: i32, %arg2: memref<128x32768xf32, #tpu.memory_space<hbm>>, %arg3: memref<32x32768xf32, #tpu.memory_space<hbm>>, %arg4: memref<32768xf32, #tpu.memory_space<vmem>>, %arg5: memref<32768xi32, #tpu.memory_space<vmem>>, %arg6: memref<4096xi32, #tpu.memory_space<vmem>>, %arg7: memref<16xi32, #tpu.memory_space<vmem>>) attributes {dimension_semantics = [#tpu.dimension_semantics<core_parallel>, #tpu.dimension_semantics<subcore_parallel>], iteration_bounds = array<i64: 2, 16>, scalar_prefetch = 0 : i64, scratch_operands = 4 : i64, tpu.core_type = #tpu.core_type<sc_vector_subcore>, window_params = [{transform_indices = #map}, {transform_indices = #map}]} {
    %mul3A = arith.constant 2 : i32
    %mul3A_0 = arith.muli %arg1, %mul3A : i32
    %add3A = arith.addi %mul3A_0, %arg0 : i32
    %iota3A = tpu.iota {dimensions = array<i32: 0>} : vector<16xi32>
    %mul3A_1 = arith.constant 0 : i32
    %mul3A_2 = vector.broadcast %mul3A_1 : i32 to vector<16xi32>
    %mul3A_3 = arith.muli %iota3A, %mul3A_2 : vector<16xi32>
    %add3A_4 = arith.constant 1 : i32
    %add3A_5 = vector.broadcast %add3A_4 : i32 to vector<16xi32>
    %add3A_6 = arith.addi %mul3A_3, %add3A_5 : vector<16xi32>
    %scan3A = arith.constant 0 : i32
    %scan3A_7 = arith.constant 0 : i32
    %scan3A_8 = arith.constant 256 : i32
    %scan3A_9 = arith.addi %scan3A_7, %scan3A_8 : i32
    %scan3A_10 = arith.constant 1 : i32
    %scan3A_11 = scf.for %scan3A_566 = %scan3A_7 to %scan3A_9 step %scan3A_10 iter_args(%scan3A_567 = %scan3A) -> (i32)  : i32 {
      %mul3A_568 = arith.constant 16 : i32
      %mul3A_569 = arith.muli %scan3A_566, %mul3A_568 : i32
      %swap3A_570 = arith.index_cast %mul3A_569 : i32 to index
      %swap3A_571 = tpu.vector_load %arg6[%swap3A_570] {strides = array<i32>} : memref<4096xi32, #tpu.memory_space<vmem>>, vector<16xi32>,
      tpu.vector_store %arg6[%swap3A_570], %mul3A_3 {strides = array<i32>} : memref<4096xi32, #tpu.memory_space<vmem>>, vector<16xi32>,
      %scan3A_572 = arith.constant 0 : i32
      scf.yield %scan3A_572 : i32
    }
    %scan3A_12 = arith.constant 256 : i32
    %mul3A_13 = arith.constant 1 : i32
    %mul3A_14 = arith.muli %add3A, %mul3A_13 : i32
    %add3A_15 = arith.constant 0 : i32
    %add3A_16 = arith.addi %mul3A_14, %add3A_15 : i32
    "tpu.region"() ({
      %run_scoped3A = tpu.sem_alloc : memref<!tpu.dma_semaphore, #tpu.memory_space<semaphore_mem>>
      %dma_start3A = arith.constant 0 : i32
      %dma_start3A_566 = tpu.memref_slice %arg2[%add3A_16, %dma_start3A] : memref<128x32768xf32, #tpu.memory_space<hbm>> -> memref<1x32768xf32, #tpu.memory_space<hbm>>
      %dma_start3A_567 = tpu.memref_squeeze %dma_start3A_566 : memref<1x32768xf32, #tpu.memory_space<hbm>> -> memref<32768xf32, #tpu.memory_space<hbm>>
      %dma_start3A_568 = arith.constant 0 : i32
      %dma_start3A_569 = tpu.memref_slice %arg2[%add3A_16, %dma_start3A_568] : memref<128x32768xf32, #tpu.memory_space<hbm>> -> memref<1x32768xf32, #tpu.memory_space<hbm>>
      %dma_start3A_570 = tpu.memref_squeeze %dma_start3A_569 : memref<1x32768xf32, #tpu.memory_space<hbm>> -> memref<32768xf32, #tpu.memory_space<hbm>>
      tpu.enqueue_dma source(%dma_start3A_570 : memref<32768xf32, #tpu.memory_space<hbm>>) target(%arg4 : memref<32768xf32, #tpu.memory_space<vmem>>) target_semaphore(%run_scoped3A : memref<!tpu.dma_semaphore, #tpu.memory_space<semaphore_mem>>)
      %dma_wait3A = arith.constant 0 : i32
      %dma_wait3A_571 = tpu.memref_slice %arg2[%add3A_16, %dma_wait3A] : memref<128x32768xf32, #tpu.memory_space<hbm>> -> memref<1x32768xf32, #tpu.memory_space<hbm>>
      %dma_wait3A_572 = tpu.memref_squeeze %dma_wait3A_571 : memref<1x32768xf32, #tpu.memory_space<hbm>> -> memref<32768xf32, #tpu.memory_space<hbm>>
      %dma_wait3A_573 = arith.constant 0 : i32
      %dma_wait3A_574 = tpu.memref_slice %arg2[%add3A_16, %dma_wait3A_573] : memref<128x32768xf32, #tpu.memory_space<hbm>> -> memref<1x32768xf32, #tpu.memory_space<hbm>>
      %dma_wait3A_575 = tpu.memref_squeeze %dma_wait3A_574 : memref<1x32768xf32, #tpu.memory_space<hbm>> -> memref<32768xf32, #tpu.memory_space<hbm>>
      tpu.wait_dma2 semaphore(%run_scoped3A : memref<!tpu.dma_semaphore, #tpu.memory_space<semaphore_mem>>) src(%dma_wait3A_575 : memref<32768xf32, #tpu.memory_space<hbm>>) dst(%arg4 : memref<32768xf32, #tpu.memory_space<vmem>>)
      tpu.yield
    }) : () -> ()
    %scan3A_17 = arith.constant 0 : i32
    %scan3A_18 = arith.constant 0 : i32
    %scan3A_19 = arith.constant 256 : i32
    %scan3A_20 = arith.addi %scan3A_18, %scan3A_19 : i32
    %scan3A_21 = arith.constant 1 : i32
    %scan3A_22 = scf.for %scan3A_566 = %scan3A_18 to %scan3A_20 step %scan3A_21 iter_args(%scan3A_567 = %scan3A_17) -> (i32)  : i32 {
      %mul3A_568 = arith.constant 128 : i32
      %mul3A_569 = arith.muli %scan3A_566, %mul3A_568 : i32
      %add3A_570 = arith.constant 0 : i32
      %add3A_571 = arith.addi %mul3A_569, %add3A_570 : i32
      %get3A_572 = arith.index_cast %add3A_571 : i32 to index
      %get3A_573 = tpu.vector_load %arg4[%get3A_572] {strides = array<i32>} : memref<32768xf32, #tpu.memory_space<vmem>>, vector<16xf32>,
      %bitcast_convert_type3A_574 = tpu.bitcast %get3A_573 : vector<16xf32> -> vector<16xi32>
      %shift_right_arithmetic3A_575 = arith.constant 31 : i32
      %shift_right_arithmetic3A_576 = vector.broadcast %shift_right_arithmetic3A_575 : i32 to vector<16xi32>
      %shift_right_arithmetic3A_577 = arith.shrsi %bitcast_convert_type3A_574, %shift_right_arithmetic3A_576 : vector<16xi32>
      %or3A_578 = arith.constant -2147483648 : i32
      %or3A_579 = vector.broadcast %or3A_578 : i32 to vector<16xi32>
      %or3A_580 = arith.ori %shift_right_arithmetic3A_577, %or3A_579 : vector<16xi32>
      %xor3A_581 = arith.xori %bitcast_convert_type3A_574, %or3A_580 : vector<16xi32>
      %swap3A_582 = arith.index_cast %add3A_571 : i32 to index
      %swap3A_583 = tpu.vector_load %arg5[%swap3A_582] {strides = array<i32>} : memref<32768xi32, #tpu.memory_space<vmem>>, vector<16xi32>,
      tpu.vector_store %arg5[%swap3A_582], %xor3A_581 {strides = array<i32>} : memref<32768xi32, #tpu.memory_space<vmem>>, vector<16xi32>,
      %shift_right_logical3A = arith.constant 20 : i32
      %shift_right_logical3A_584 = vector.broadcast %shift_right_logical3A : i32 to vector<16xi32>
      %shift_right_logical3A_585 = arith.shrui %xor3A_581, %shift_right_logical3A_584 : vector<16xi32>
      tpu.vector_store_idx %arg6[%shift_right_logical3A_585], %add3A_6 {add = true} : memref<4096xi32, #tpu.memory_space<vmem>>[vector<16xi32>], vector<16xi32>,
      %mul3A_586 = arith.constant 128 : i32
      %mul3A_587 = arith.muli %scan3A_566, %mul3A_586 : i32
      %add3A_588 = arith.constant 16 : i32
      %add3A_589 = arith.addi %mul3A_587, %add3A_588 : i32
      %get3A_590 = arith.index_cast %add3A_589 : i32 to index
      %get3A_591 = tpu.vector_load %arg4[%get3A_590] {strides = array<i32>} : memref<32768xf32, #tpu.memory_space<vmem>>, vector<16xf32>,
      %bitcast_convert_type3A_592 = tpu.bitcast %get3A_591 : vector<16xf32> -> vector<16xi32>
      %shift_right_arithmetic3A_593 = arith.constant 31 : i32
      %shift_right_arithmetic3A_594 = vector.broadcast %shift_right_arithmetic3A_593 : i32 to vector<16xi32>
      %shift_right_arithmetic3A_595 = arith.shrsi %bitcast_convert_type3A_592, %shift_right_arithmetic3A_594 : vector<16xi32>
      %or3A_596 = arith.constant -2147483648 : i32
      %or3A_597 = vector.broadcast %or3A_596 : i32 to vector<16xi32>
      %or3A_598 = arith.ori %shift_right_arithmetic3A_595, %or3A_597 : vector<16xi32>
      %xor3A_599 = arith.xori %bitcast_convert_type3A_592, %or3A_598 : vector<16xi32>
      %swap3A_600 = arith.index_cast %add3A_589 : i32 to index
      %swap3A_601 = tpu.vector_load %arg5[%swap3A_600] {strides = array<i32>} : memref<32768xi32, #tpu.memory_space<vmem>>, vector<16xi32>,
      tpu.vector_store %arg5[%swap3A_600], %xor3A_599 {strides = array<i32>} : memref<32768xi32, #tpu.memory_space<vmem>>, vector<16xi32>,
      %shift_right_logical3A_602 = arith.constant 20 : i32
      %shift_right_logical3A_603 = vector.broadcast %shift_right_logical3A_602 : i32 to vector<16xi32>
      %shift_right_logical3A_604 = arith.shrui %xor3A_599, %shift_right_logical3A_603 : vector<16xi32>
      tpu.vector_store_idx %arg6[%shift_right_logical3A_604], %add3A_6 {add = true} : memref<4096xi32, #tpu.memory_space<vmem>>[vector<16xi32>], vector<16xi32>,
      %mul3A_605 = arith.constant 128 : i32
      %mul3A_606 = arith.muli %scan3A_566, %mul3A_605 : i32
      %add3A_607 = arith.constant 32 : i32
      %add3A_608 = arith.addi %mul3A_606, %add3A_607 : i32
      %get3A_609 = arith.index_cast %add3A_608 : i32 to index
      %get3A_610 = tpu.vector_load %arg4[%get3A_609] {strides = array<i32>} : memref<32768xf32, #tpu.memory_space<vmem>>, vector<16xf32>,
      %bitcast_convert_type3A_611 = tpu.bitcast %get3A_610 : vector<16xf32> -> vector<16xi32>
      %shift_right_arithmetic3A_612 = arith.constant 31 : i32
      %shift_right_arithmetic3A_613 = vector.broadcast %shift_right_arithmetic3A_612 : i32 to vector<16xi32>
      %shift_right_arithmetic3A_614 = arith.shrsi %bitcast_convert_type3A_611, %shift_right_arithmetic3A_613 : vector<16xi32>
      %or3A_615 = arith.constant -2147483648 : i32
      %or3A_616 = vector.broadcast %or3A_615 : i32 to vector<16xi32>
      %or3A_617 = arith.ori %shift_right_arithmetic3A_614, %or3A_616 : vector<16xi32>
      %xor3A_618 = arith.xori %bitcast_convert_type3A_611, %or3A_617 : vector<16xi32>
      %swap3A_619 = arith.index_cast %add3A_608 : i32 to index
      %swap3A_620 = tpu.vector_load %arg5[%swap3A_619] {strides = array<i32>} : memref<32768xi32, #tpu.memory_space<vmem>>, vector<16xi32>,
      tpu.vector_store %arg5[%swap3A_619], %xor3A_618 {strides = array<i32>} : memref<32768xi32, #tpu.memory_space<vmem>>, vector<16xi32>,
      %shift_right_logical3A_621 = arith.constant 20 : i32
      %shift_right_logical3A_622 = vector.broadcast %shift_right_logical3A_621 : i32 to vector<16xi32>
      %shift_right_logical3A_623 = arith.shrui %xor3A_618, %shift_right_logical3A_622 : vector<16xi32>
      tpu.vector_store_idx %arg6[%shift_right_logical3A_623], %add3A_6 {add = true} : memref<4096xi32, #tpu.memory_space<vmem>>[vector<16xi32>], vector<16xi32>,
      %mul3A_624 = arith.constant 128 : i32
      %mul3A_625 = arith.muli %scan3A_566, %mul3A_624 : i32
      %add3A_626 = arith.constant 48 : i32
      %add3A_627 = arith.addi %mul3A_625, %add3A_626 : i32
      %get3A_628 = arith.index_cast %add3A_627 : i32 to index
      %get3A_629 = tpu.vector_load %arg4[%get3A_628] {strides = array<i32>} : memref<32768xf32, #tpu.memory_space<vmem>>, vector<16xf32>,
      %bitcast_convert_type3A_630 = tpu.bitcast %get3A_629 : vector<16xf32> -> vector<16xi32>
      %shift_right_arithmetic3A_631 = arith.constant 31 : i32
      %shift_right_arithmetic3A_632 = vector.broadcast %shift_right_arithmetic3A_631 : i32 to vector<16xi32>
      %shift_right_arithmetic3A_633 = arith.shrsi %bitcast_convert_type3A_630, %shift_right_arithmetic3A_632 : vector<16xi32>
      %or3A_634 = arith.constant -2147483648 : i32
      %or3A_635 = vector.broadcast %or3A_634 : i32 to vector<16xi32>
      %or3A_636 = arith.ori %shift_right_arithmetic3A_633, %or3A_635 : vector<16xi32>
      %xor3A_637 = arith.xori %bitcast_convert_type3A_630, %or3A_636 : vector<16xi32>
      %swap3A_638 = arith.index_cast %add3A_627 : i32 to index
      %swap3A_639 = tpu.vector_load %arg5[%swap3A_638] {strides = array<i32>} : memref<32768xi32, #tpu.memory_space<vmem>>, vector<16xi32>,
      tpu.vector_store %arg5[%swap3A_638], %xor3A_637 {strides = array<i32>} : memref<32768xi32, #tpu.memory_space<vmem>>, vector<16xi32>,
      %shift_right_logical3A_640 = arith.constant 20 : i32
      %shift_right_logical3A_641 = vector.broadcast %shift_right_logical3A_640 : i32 to vector<16xi32>
      %shift_right_logical3A_642 = arith.shrui %xor3A_637, %shift_right_logical3A_641 : vector<16xi32>
      tpu.vector_store_idx %arg6[%shift_right_logical3A_642], %add3A_6 {add = true} : memref<4096xi32, #tpu.memory_space<vmem>>[vector<16xi32>], vector<16xi32>,
      %mul3A_643 = arith.constant 128 : i32
      %mul3A_644 = arith.muli %scan3A_566, %mul3A_643 : i32
      %add3A_645 = arith.constant 64 : i32
      %add3A_646 = arith.addi %mul3A_644, %add3A_645 : i32
      %get3A_647 = arith.index_cast %add3A_646 : i32 to index
      %get3A_648 = tpu.vector_load %arg4[%get3A_647] {strides = array<i32>} : memref<32768xf32, #tpu.memory_space<vmem>>, vector<16xf32>,
      %bitcast_convert_type3A_649 = tpu.bitcast %get3A_648 : vector<16xf32> -> vector<16xi32>
      %shift_right_arithmetic3A_650 = arith.constant 31 : i32
      %shift_right_arithmetic3A_651 = vector.broadcast %shift_right_arithmetic3A_650 : i32 to vector<16xi32>
      %shift_right_arithmetic3A_652 = arith.shrsi %bitcast_convert_type3A_649, %shift_right_arithmetic3A_651 : vector<16xi32>
      %or3A_653 = arith.constant -2147483648 : i32
      %or3A_654 = vector.broadcast %or3A_653 : i32 to vector<16xi32>
      %or3A_655 = arith.ori %shift_right_arithmetic3A_652, %or3A_654 : vector<16xi32>
      %xor3A_656 = arith.xori %bitcast_convert_type3A_649, %or3A_655 : vector<16xi32>
      %swap3A_657 = arith.index_cast %add3A_646 : i32 to index
      %swap3A_658 = tpu.vector_load %arg5[%swap3A_657] {strides = array<i32>} : memref<32768xi32, #tpu.memory_space<vmem>>, vector<16xi32>,
      tpu.vector_store %arg5[%swap3A_657], %xor3A_656 {strides = array<i32>} : memref<32768xi32, #tpu.memory_space<vmem>>, vector<16xi32>,
      %shift_right_logical3A_659 = arith.constant 20 : i32
      %shift_right_logical3A_660 = vector.broadcast %shift_right_logical3A_659 : i32 to vector<16xi32>
      %shift_right_logical3A_661 = arith.shrui %xor3A_656, %shift_right_logical3A_660 : vector<16xi32>
      tpu.vector_store_idx %arg6[%shift_right_logical3A_661], %add3A_6 {add = true} : memref<4096xi32, #tpu.memory_space<vmem>>[vector<16xi32>], vector<16xi32>,
      %mul3A_662 = arith.constant 128 : i32
      %mul3A_663 = arith.muli %scan3A_566, %mul3A_662 : i32
      %add3A_664 = arith.constant 80 : i32
      %add3A_665 = arith.addi %mul3A_663, %add3A_664 : i32
      %get3A_666 = arith.index_cast %add3A_665 : i32 to index
      %get3A_667 = tpu.vector_load %arg4[%get3A_666] {strides = array<i32>} : memref<32768xf32, #tpu.memory_space<vmem>>, vector<16xf32>,
      %bitcast_convert_type3A_668 = tpu.bitcast %get3A_667 : vector<16xf32> -> vector<16xi32>
      %shift_right_arithmetic3A_669 = arith.constant 31 : i32
      %shift_right_arithmetic3A_670 = vector.broadcast %shift_right_arithmetic3A_669 : i32 to vector<16xi32>
      %shift_right_arithmetic3A_671 = arith.shrsi %bitcast_convert_type3A_668, %shift_right_arithmetic3A_670 : vector<16xi32>
      %or3A_672 = arith.constant -2147483648 : i32
      %or3A_673 = vector.broadcast %or3A_672 : i32 to vector<16xi32>
      %or3A_674 = arith.ori %shift_right_arithmetic3A_671, %or3A_673 : vector<16xi32>
      %xor3A_675 = arith.xori %bitcast_convert_type3A_668, %or3A_674 : vector<16xi32>
      %swap3A_676 = arith.index_cast %add3A_665 : i32 to index
      %swap3A_677 = tpu.vector_load %arg5[%swap3A_676] {strides = array<i32>} : memref<32768xi32, #tpu.memory_space<vmem>>, vector<16xi32>,
      tpu.vector_store %arg5[%swap3A_676], %xor3A_675 {strides = array<i32>} : memref<32768xi32, #tpu.memory_space<vmem>>, vector<16xi32>,
      %shift_right_logical3A_678 = arith.constant 20 : i32
      %shift_right_logical3A_679 = vector.broadcast %shift_right_logical3A_678 : i32 to vector<16xi32>
      %shift_right_logical3A_680 = arith.shrui %xor3A_675, %shift_right_logical3A_679 : vector<16xi32>
      tpu.vector_store_idx %arg6[%shift_right_logical3A_680], %add3A_6 {add = true} : memref<4096xi32, #tpu.memory_space<vmem>>[vector<16xi32>], vector<16xi32>,
      %mul3A_681 = arith.constant 128 : i32
      %mul3A_682 = arith.muli %scan3A_566, %mul3A_681 : i32
      %add3A_683 = arith.constant 96 : i32
      %add3A_684 = arith.addi %mul3A_682, %add3A_683 : i32
      %get3A_685 = arith.index_cast %add3A_684 : i32 to index
      %get3A_686 = tpu.vector_load %arg4[%get3A_685] {strides = array<i32>} : memref<32768xf32, #tpu.memory_space<vmem>>, vector<16xf32>,
      %bitcast_convert_type3A_687 = tpu.bitcast %get3A_686 : vector<16xf32> -> vector<16xi32>
      %shift_right_arithmetic3A_688 = arith.constant 31 : i32
      %shift_right_arithmetic3A_689 = vector.broadcast %shift_right_arithmetic3A_688 : i32 to vector<16xi32>
      %shift_right_arithmetic3A_690 = arith.shrsi %bitcast_convert_type3A_687, %shift_right_arithmetic3A_689 : vector<16xi32>
      %or3A_691 = arith.constant -2147483648 : i32
      %or3A_692 = vector.broadcast %or3A_691 : i32 to vector<16xi32>
      %or3A_693 = arith.ori %shift_right_arithmetic3A_690, %or3A_692 : vector<16xi32>
      %xor3A_694 = arith.xori %bitcast_convert_type3A_687, %or3A_693 : vector<16xi32>
      %swap3A_695 = arith.index_cast %add3A_684 : i32 to index
      %swap3A_696 = tpu.vector_load %arg5[%swap3A_695] {strides = array<i32>} : memref<32768xi32, #tpu.memory_space<vmem>>, vector<16xi32>,
      tpu.vector_store %arg5[%swap3A_695], %xor3A_694 {strides = array<i32>} : memref<32768xi32, #tpu.memory_space<vmem>>, vector<16xi32>,
      %shift_right_logical3A_697 = arith.constant 20 : i32
      %shift_right_logical3A_698 = vector.broadcast %shift_right_logical3A_697 : i32 to vector<16xi32>
      %shift_right_logical3A_699 = arith.shrui %xor3A_694, %shift_right_logical3A_698 : vector<16xi32>
      tpu.vector_store_idx %arg6[%shift_right_logical3A_699], %add3A_6 {add = true} : memref<4096xi32, #tpu.memory_space<vmem>>[vector<16xi32>], vector<16xi32>,
      %mul3A_700 = arith.constant 128 : i32
      %mul3A_701 = arith.muli %scan3A_566, %mul3A_700 : i32
      %add3A_702 = arith.constant 112 : i32
      %add3A_703 = arith.addi %mul3A_701, %add3A_702 : i32
      %get3A_704 = arith.index_cast %add3A_703 : i32 to index
      %get3A_705 = tpu.vector_load %arg4[%get3A_704] {strides = array<i32>} : memref<32768xf32, #tpu.memory_space<vmem>>, vector<16xf32>,
      %bitcast_convert_type3A_706 = tpu.bitcast %get3A_705 : vector<16xf32> -> vector<16xi32>
      %shift_right_arithmetic3A_707 = arith.constant 31 : i32
      %shift_right_arithmetic3A_708 = vector.broadcast %shift_right_arithmetic3A_707 : i32 to vector<16xi32>
      %shift_right_arithmetic3A_709 = arith.shrsi %bitcast_convert_type3A_706, %shift_right_arithmetic3A_708 : vector<16xi32>
      %or3A_710 = arith.constant -2147483648 : i32
      %or3A_711 = vector.broadcast %or3A_710 : i32 to vector<16xi32>
      %or3A_712 = arith.ori %shift_right_arithmetic3A_709, %or3A_711 : vector<16xi32>
      %xor3A_713 = arith.xori %bitcast_convert_type3A_706, %or3A_712 : vector<16xi32>
      %swap3A_714 = arith.index_cast %add3A_703 : i32 to index
      %swap3A_715 = tpu.vector_load %arg5[%swap3A_714] {strides = array<i32>} : memref<32768xi32, #tpu.memory_space<vmem>>, vector<16xi32>,
      tpu.vector_store %arg5[%swap3A_714], %xor3A_713 {strides = array<i32>} : memref<32768xi32, #tpu.memory_space<vmem>>, vector<16xi32>,
      %shift_right_logical3A_716 = arith.constant 20 : i32
      %shift_right_logical3A_717 = vector.broadcast %shift_right_logical3A_716 : i32 to vector<16xi32>
      %shift_right_logical3A_718 = arith.shrui %xor3A_713, %shift_right_logical3A_717 : vector<16xi32>
      tpu.vector_store_idx %arg6[%shift_right_logical3A_718], %add3A_6 {add = true} : memref<4096xi32, #tpu.memory_space<vmem>>[vector<16xi32>], vector<16xi32>,
      %scan3A_719 = arith.constant 0 : i32
      scf.yield %scan3A_719 : i32
    }
    %scan3A_23 = arith.constant 256 : i32
    %mul3A_24 = arith.constant 256 : i32
    %mul3A_25 = vector.broadcast %mul3A_24 : i32 to vector<16xi32>
    %mul3A_26 = arith.muli %iota3A, %mul3A_25 : vector<16xi32>
    %scan3A_27 = arith.constant 0 : i32
    %scan3A_28 = arith.constant 256 : i32
    %scan3A_29 = arith.addi %scan3A_27, %scan3A_28 : i32
    %scan3A_30 = arith.constant 1 : i32
    %scan3A_31 = scf.for %scan3A_566 = %scan3A_27 to %scan3A_29 step %scan3A_30 iter_args(%scan3A_567 = %mul3A_3) -> (vector<16xi32>)  : i32 {
      %add3A_568 = vector.broadcast %scan3A_566 : i32 to vector<16xi32>
      %add3A_569 = arith.addi %mul3A_26, %add3A_568 : vector<16xi32>
      %gather3A_570 = tpu.vector_load_idx %arg6[%add3A_569] : memref<4096xi32, #tpu.memory_space<vmem>>[vector<16xi32>], vector<16xi32>,
      %add3A_571 = arith.addi %scan3A_567, %gather3A_570 : vector<16xi32>
      scf.yield %add3A_571 : vector<16xi32>
    }
    %scan3A_32 = arith.constant 256 : i32
    %rev3A = arith.constant 15 : i32
    %rev3A_33 = vector.broadcast %rev3A : i32 to vector<16xi32>
    %rev3A_34 = tpu.iota {dimensions = array<i32: 0>} : vector<16xi32>
    %rev3A_35 = arith.subi %rev3A_33, %rev3A_34 : vector<16xi32>
    %rev3A_36 = tpu.dynamic_gather %scan3A_31[%rev3A_35] in [0] : vector<16xi32>, vector<16xi32> -> vector<16xi32>
    %broadcast_in_dim3A = arith.constant true
    %broadcast_in_dim3A_37 = vector.broadcast %broadcast_in_dim3A : i1 to vector<16xi1>
    %masked_cumsum3A = tpu.scan <sum>, %rev3A_36 masked %broadcast_in_dim3A_37 : vector<16xi32>, vector<16xi1> -> vector<16xi32>
    %rev3A_38 = arith.constant 15 : i32
    %rev3A_39 = vector.broadcast %rev3A_38 : i32 to vector<16xi32>
    %rev3A_40 = tpu.iota {dimensions = array<i32: 0>} : vector<16xi32>
    %rev3A_41 = arith.subi %rev3A_39, %rev3A_40 : vector<16xi32>
    %rev3A_42 = tpu.dynamic_gather %masked_cumsum3A[%rev3A_41] in [0] : vector<16xi32>, vector<16xi32> -> vector<16xi32>
    %sub3A = arith.subi %rev3A_42, %scan3A_31 : vector<16xi32>
    %ge3A = arith.constant 1639 : i32
    %ge3A_43 = vector.broadcast %ge3A : i32 to vector<16xi32>
    %ge3A_44 = arith.cmpi sge, %rev3A_42, %ge3A_43 : vector<16xi32>
    %lt3A = arith.constant 1639 : i32
    %lt3A_45 = vector.broadcast %lt3A : i32 to vector<16xi32>
    %lt3A_46 = arith.cmpi slt, %sub3A, %lt3A_45 : vector<16xi32>
    %and3A = arith.andi %ge3A_44, %lt3A_46 : vector<16xi1>
    %convert_element_type3A = arith.extui %and3A : vector<16xi1> to vector<16xi32>
    %mul3A_47 = arith.muli %convert_element_type3A, %iota3A : vector<16xi32>
    %reduce_sum3A = arith.constant true
    %reduce_sum3A_48 = vector.broadcast %reduce_sum3A : i1 to vector<16xi1>
    %reduce_sum3A_49 = tpu.scan <sum>, %mul3A_47 masked %reduce_sum3A_48 : vector<16xi32>, vector<16xi1> -> vector<16xi32>
    %reduce_sum3A_50 = vector.extract %reduce_sum3A_49[15] : i32 from vector<16xi32>
    %mul3A_51 = arith.muli %convert_element_type3A, %sub3A : vector<16xi32>
    %reduce_sum3A_52 = arith.constant true
    %reduce_sum3A_53 = vector.broadcast %reduce_sum3A_52 : i1 to vector<16xi1>
    %reduce_sum3A_54 = tpu.scan <sum>, %mul3A_51 masked %reduce_sum3A_53 : vector<16xi32>, vector<16xi1> -> vector<16xi32>
    %reduce_sum3A_55 = vector.extract %reduce_sum3A_54[15] : i32 from vector<16xi32>
    %mul3A_56 = arith.constant 256 : i32
    %mul3A_57 = arith.muli %reduce_sum3A_50, %mul3A_56 : i32
    %scan3A_58 = arith.constant 0 : i32
    %scan3A_59 = arith.constant 16 : i32
    %scan3A_60 = arith.addi %scan3A_58, %scan3A_59 : i32
    %scan3A_61 = arith.constant 1 : i32
    %scan3A_62 = scf.for %scan3A_566 = %scan3A_58 to %scan3A_60 step %scan3A_61 iter_args(%scan3A_567 = %mul3A_3) -> (vector<16xi32>)  : i32 {
      %mul3A_568 = arith.constant 16 : i32
      %mul3A_569 = vector.broadcast %mul3A_568 : i32 to vector<16xi32>
      %mul3A_570 = arith.muli %iota3A, %mul3A_569 : vector<16xi32>
      %add3A_571 = vector.broadcast %mul3A_57 : i32 to vector<16xi32>
      %add3A_572 = arith.addi %add3A_571, %mul3A_570 : vector<16xi32>
      %add3A_573 = vector.broadcast %scan3A_566 : i32 to vector<16xi32>
      %add3A_574 = arith.addi %add3A_572, %add3A_573 : vector<16xi32>
      %gather3A_575 = tpu.vector_load_idx %arg6[%add3A_574] : memref<4096xi32, #tpu.memory_space<vmem>>[vector<16xi32>], vector<16xi32>,
      %add3A_576 = arith.addi %scan3A_567, %gather3A_575 : vector<16xi32>
      scf.yield %add3A_576 : vector<16xi32>
    }
    %scan3A_63 = arith.constant 16 : i32
    %rev3A_64 = arith.constant 15 : i32
    %rev3A_65 = vector.broadcast %rev3A_64 : i32 to vector<16xi32>
    %rev3A_66 = tpu.iota {dimensions = array<i32: 0>} : vector<16xi32>
    %rev3A_67 = arith.subi %rev3A_65, %rev3A_66 : vector<16xi32>
    %rev3A_68 = tpu.dynamic_gather %scan3A_62[%rev3A_67] in [0] : vector<16xi32>, vector<16xi32> -> vector<16xi32>
    %broadcast_in_dim3A_69 = arith.constant true
    %broadcast_in_dim3A_70 = vector.broadcast %broadcast_in_dim3A_69 : i1 to vector<16xi1>
    %masked_cumsum3A_71 = tpu.scan <sum>, %rev3A_68 masked %broadcast_in_dim3A_70 : vector<16xi32>, vector<16xi1> -> vector<16xi32>
    %rev3A_72 = arith.constant 15 : i32
    %rev3A_73 = vector.broadcast %rev3A_72 : i32 to vector<16xi32>
    %rev3A_74 = tpu.iota {dimensions = array<i32: 0>} : vector<16xi32>
    %rev3A_75 = arith.subi %rev3A_73, %rev3A_74 : vector<16xi32>
    %rev3A_76 = tpu.dynamic_gather %masked_cumsum3A_71[%rev3A_75] in [0] : vector<16xi32>, vector<16xi32> -> vector<16xi32>
    %add3A_77 = vector.broadcast %reduce_sum3A_55 : i32 to vector<16xi32>
    %add3A_78 = arith.addi %add3A_77, %rev3A_76 : vector<16xi32>
    %sub3A_79 = arith.subi %add3A_78, %scan3A_62 : vector<16xi32>
    %ge3A_80 = arith.constant 1639 : i32
    %ge3A_81 = vector.broadcast %ge3A_80 : i32 to vector<16xi32>
    %ge3A_82 = arith.cmpi sge, %add3A_78, %ge3A_81 : vector<16xi32>
    %lt3A_83 = arith.constant 1639 : i32
    %lt3A_84 = vector.broadcast %lt3A_83 : i32 to vector<16xi32>
    %lt3A_85 = arith.cmpi slt, %sub3A_79, %lt3A_84 : vector<16xi32>
    %and3A_86 = arith.andi %ge3A_82, %lt3A_85 : vector<16xi1>
    %convert_element_type3A_87 = arith.extui %and3A_86 : vector<16xi1> to vector<16xi32>
    %mul3A_88 = arith.muli %convert_element_type3A_87, %iota3A : vector<16xi32>
    %reduce_sum3A_89 = arith.constant true
    %reduce_sum3A_90 = vector.broadcast %reduce_sum3A_89 : i1 to vector<16xi1>
    %reduce_sum3A_91 = tpu.scan <sum>, %mul3A_88 masked %reduce_sum3A_90 : vector<16xi32>, vector<16xi1> -> vector<16xi32>
    %reduce_sum3A_92 = vector.extract %reduce_sum3A_91[15] : i32 from vector<16xi32>
    %mul3A_93 = arith.muli %convert_element_type3A_87, %sub3A_79 : vector<16xi32>
    %reduce_sum3A_94 = arith.constant true
    %reduce_sum3A_95 = vector.broadcast %reduce_sum3A_94 : i1 to vector<16xi1>
    %reduce_sum3A_96 = tpu.scan <sum>, %mul3A_93 masked %reduce_sum3A_95 : vector<16xi32>, vector<16xi1> -> vector<16xi32>
    %reduce_sum3A_97 = vector.extract %reduce_sum3A_96[15] : i32 from vector<16xi32>
    %mul3A_98 = arith.constant 16 : i32
    %mul3A_99 = arith.muli %reduce_sum3A_92, %mul3A_98 : i32
    %add3A_100 = arith.addi %mul3A_57, %mul3A_99 : i32
    %add3A_101 = vector.broadcast %add3A_100 : i32 to vector<16xi32>
    %add3A_102 = arith.addi %add3A_101, %iota3A : vector<16xi32>
    %gather3A = tpu.vector_load_idx %arg6[%add3A_102] : memref<4096xi32, #tpu.memory_space<vmem>>[vector<16xi32>], vector<16xi32>,
    %rev3A_103 = arith.constant 15 : i32
    %rev3A_104 = vector.broadcast %rev3A_103 : i32 to vector<16xi32>
    %rev3A_105 = tpu.iota {dimensions = array<i32: 0>} : vector<16xi32>
    %rev3A_106 = arith.subi %rev3A_104, %rev3A_105 : vector<16xi32>
    %rev3A_107 = tpu.dynamic_gather %gather3A[%rev3A_106] in [0] : vector<16xi32>, vector<16xi32> -> vector<16xi32>
    %broadcast_in_dim3A_108 = arith.constant true
    %broadcast_in_dim3A_109 = vector.broadcast %broadcast_in_dim3A_108 : i1 to vector<16xi1>
    %masked_cumsum3A_110 = tpu.scan <sum>, %rev3A_107 masked %broadcast_in_dim3A_109 : vector<16xi32>, vector<16xi1> -> vector<16xi32>
    %rev3A_111 = arith.constant 15 : i32
    %rev3A_112 = vector.broadcast %rev3A_111 : i32 to vector<16xi32>
    %rev3A_113 = tpu.iota {dimensions = array<i32: 0>} : vector<16xi32>
    %rev3A_114 = arith.subi %rev3A_112, %rev3A_113 : vector<16xi32>
    %rev3A_115 = tpu.dynamic_gather %masked_cumsum3A_110[%rev3A_114] in [0] : vector<16xi32>, vector<16xi32> -> vector<16xi32>
    %add3A_116 = vector.broadcast %reduce_sum3A_97 : i32 to vector<16xi32>
    %add3A_117 = arith.addi %add3A_116, %rev3A_115 : vector<16xi32>
    %sub3A_118 = arith.subi %add3A_117, %gather3A : vector<16xi32>
    %ge3A_119 = arith.constant 1639 : i32
    %ge3A_120 = vector.broadcast %ge3A_119 : i32 to vector<16xi32>
    %ge3A_121 = arith.cmpi sge, %add3A_117, %ge3A_120 : vector<16xi32>
    %lt3A_122 = arith.constant 1639 : i32
    %lt3A_123 = vector.broadcast %lt3A_122 : i32 to vector<16xi32>
    %lt3A_124 = arith.cmpi slt, %sub3A_118, %lt3A_123 : vector<16xi32>
    %and3A_125 = arith.andi %ge3A_121, %lt3A_124 : vector<16xi1>
    %convert_element_type3A_126 = arith.extui %and3A_125 : vector<16xi1> to vector<16xi32>
    %add3A_127 = vector.broadcast %add3A_100 : i32 to vector<16xi32>
    %add3A_128 = arith.addi %add3A_127, %iota3A : vector<16xi32>
    %mul3A_129 = arith.muli %convert_element_type3A_126, %add3A_128 : vector<16xi32>
    %reduce_sum3A_130 = arith.constant true
    %reduce_sum3A_131 = vector.broadcast %reduce_sum3A_130 : i1 to vector<16xi1>
    %reduce_sum3A_132 = tpu.scan <sum>, %mul3A_129 masked %reduce_sum3A_131 : vector<16xi32>, vector<16xi1> -> vector<16xi32>
    %reduce_sum3A_133 = vector.extract %reduce_sum3A_132[15] : i32 from vector<16xi32>
    %mul3A_134 = arith.muli %convert_element_type3A_126, %sub3A_118 : vector<16xi32>
    %reduce_sum3A_135 = arith.constant true
    %reduce_sum3A_136 = vector.broadcast %reduce_sum3A_135 : i1 to vector<16xi1>
    %reduce_sum3A_137 = tpu.scan <sum>, %mul3A_134 masked %reduce_sum3A_136 : vector<16xi32>, vector<16xi1> -> vector<16xi32>
    %reduce_sum3A_138 = vector.extract %reduce_sum3A_137[15] : i32 from vector<16xi32>
    %mul3A_139 = arith.muli %convert_element_type3A_126, %gather3A : vector<16xi32>
    %reduce_sum3A_140 = arith.constant true
    %reduce_sum3A_141 = vector.broadcast %reduce_sum3A_140 : i1 to vector<16xi1>
    %reduce_sum3A_142 = tpu.scan <sum>, %mul3A_139 masked %reduce_sum3A_141 : vector<16xi32>, vector<16xi1> -> vector<16xi32>
    %reduce_sum3A_143 = vector.extract %reduce_sum3A_142[15] : i32 from vector<16xi32>
    %scan3A_144 = arith.constant 0 : i32
    %scan3A_145 = arith.constant 0 : i32
    %scan3A_146 = arith.constant 256 : i32
    %scan3A_147 = arith.addi %scan3A_145, %scan3A_146 : i32
    %scan3A_148 = arith.constant 1 : i32
    %scan3A_149 = scf.for %scan3A_566 = %scan3A_145 to %scan3A_147 step %scan3A_148 iter_args(%scan3A_567 = %scan3A_144) -> (i32)  : i32 {
      %mul3A_568 = arith.constant 16 : i32
      %mul3A_569 = arith.muli %scan3A_566, %mul3A_568 : i32
      %swap3A_570 = arith.index_cast %mul3A_569 : i32 to index
      %swap3A_571 = tpu.vector_load %arg6[%swap3A_570] {strides = array<i32>} : memref<4096xi32, #tpu.memory_space<vmem>>, vector<16xi32>,
      tpu.vector_store %arg6[%swap3A_570], %mul3A_3 {strides = array<i32>} : memref<4096xi32, #tpu.memory_space<vmem>>, vector<16xi32>,
      %scan3A_572 = arith.constant 0 : i32
      scf.yield %scan3A_572 : i32
    }
    %scan3A_150 = arith.constant 256 : i32
    %add3A_151 = arith.constant -2147483648 : i32
    %add3A_152 = vector.broadcast %add3A_151 : i32 to vector<16xi32>
    %add3A_153 = arith.addi %mul3A_3, %add3A_152 : vector<16xi32>
    %swap3A = arith.constant 0 : index
    %swap3A_154 = tpu.vector_load %arg7[%swap3A] {strides = array<i32>} : memref<16xi32, #tpu.memory_space<vmem>>, vector<16xi32>,
    tpu.vector_store %arg7[%swap3A], %add3A_153 {strides = array<i32>} : memref<16xi32, #tpu.memory_space<vmem>>, vector<16xi32>,
    %add3A_155 = arith.addi %reduce_sum3A_138, %reduce_sum3A_143 : i32
    %eq3A = arith.constant 1639 : i32
    %eq3A_156 = arith.cmpi eq, %add3A_155, %eq3A : i32
    %convert_element_type3A_157 = arith.extui %eq3A_156 : i1 to i32
    %cond3A = arith.constant 0 : i32
    %cond3A_158 = arith.cmpi ne, %convert_element_type3A_157, %cond3A : i32
    scf.if %cond3A_158 {
      %add3A_566 = arith.constant -2147483648 : i32
      %add3A_567 = vector.broadcast %add3A_566 : i32 to vector<16xi32>
      %add3A_568 = arith.addi %mul3A_3, %add3A_567 : vector<16xi32>
      %scan3A_569 = arith.constant 0 : i32
      %scan3A_570 = arith.constant 256 : i32
      %scan3A_571 = arith.addi %scan3A_569, %scan3A_570 : i32
      %scan3A_572 = arith.constant 1 : i32
      %scan3A_573 = scf.for %scan3A_577 = %scan3A_569 to %scan3A_571 step %scan3A_572 iter_args(%scan3A_578 = %add3A_568) -> (vector<16xi32>)  : i32 {
        %mul3A_579 = arith.constant 128 : i32
        %mul3A_580 = arith.muli %scan3A_577, %mul3A_579 : i32
        %add3A_581 = arith.constant 0 : i32
        %add3A_582 = arith.addi %mul3A_580, %add3A_581 : i32
        %get3A_583 = arith.index_cast %add3A_582 : i32 to index
        %get3A_584 = tpu.vector_load %arg5[%get3A_583] {strides = array<i32>} : memref<32768xi32, #tpu.memory_space<vmem>>, vector<16xi32>,
        %shift_right_logical3A = arith.constant 20 : i32
        %shift_right_logical3A_585 = vector.broadcast %shift_right_logical3A : i32 to vector<16xi32>
        %shift_right_logical3A_586 = arith.shrui %get3A_584, %shift_right_logical3A_585 : vector<16xi32>
        %lt3A_587 = vector.broadcast %reduce_sum3A_133 : i32 to vector<16xi32>
        %lt3A_588 = arith.cmpi slt, %shift_right_logical3A_586, %lt3A_587 : vector<16xi32>
        %xor3A_589 = arith.constant -2147483648 : i32
        %xor3A_590 = vector.broadcast %xor3A_589 : i32 to vector<16xi32>
        %xor3A_591 = arith.xori %get3A_584, %xor3A_590 : vector<16xi32>
        %jit3A = arith.constant -2147483648 : i32
        %broadcast_in_dim3A_592 = vector.broadcast %jit3A : i32 to vector<16xi32>
        %select_n3A_593 = arith.select %lt3A_588, %xor3A_591, %broadcast_in_dim3A_592 : vector<16xi1>, vector<16xi32>
        %max3A_594 = arith.maxsi %scan3A_578, %select_n3A_593 : vector<16xi32>
        %mul3A_595 = arith.constant 128 : i32
        %mul3A_596 = arith.muli %scan3A_577, %mul3A_595 : i32
        %add3A_597 = arith.constant 16 : i32
        %add3A_598 = arith.addi %mul3A_596, %add3A_597 : i32
        %get3A_599 = arith.index_cast %add3A_598 : i32 to index
        %get3A_600 = tpu.vector_load %arg5[%get3A_599] {strides = array<i32>} : memref<32768xi32, #tpu.memory_space<vmem>>, vector<16xi32>,
        %shift_right_logical3A_601 = arith.constant 20 : i32
        %shift_right_logical3A_602 = vector.broadcast %shift_right_logical3A_601 : i32 to vector<16xi32>
        %shift_right_logical3A_603 = arith.shrui %get3A_600, %shift_right_logical3A_602 : vector<16xi32>
        %lt3A_604 = vector.broadcast %reduce_sum3A_133 : i32 to vector<16xi32>
        %lt3A_605 = arith.cmpi slt, %shift_right_logical3A_603, %lt3A_604 : vector<16xi32>
        %xor3A_606 = arith.constant -2147483648 : i32
        %xor3A_607 = vector.broadcast %xor3A_606 : i32 to vector<16xi32>
        %xor3A_608 = arith.xori %get3A_600, %xor3A_607 : vector<16xi32>
        %jit3A_609 = arith.constant -2147483648 : i32
        %broadcast_in_dim3A_610 = vector.broadcast %jit3A_609 : i32 to vector<16xi32>
        %select_n3A_611 = arith.select %lt3A_605, %xor3A_608, %broadcast_in_dim3A_610 : vector<16xi1>, vector<16xi32>
        %max3A_612 = arith.maxsi %max3A_594, %select_n3A_611 : vector<16xi32>
        %mul3A_613 = arith.constant 128 : i32
        %mul3A_614 = arith.muli %scan3A_577, %mul3A_613 : i32
        %add3A_615 = arith.constant 32 : i32
        %add3A_616 = arith.addi %mul3A_614, %add3A_615 : i32
        %get3A_617 = arith.index_cast %add3A_616 : i32 to index
        %get3A_618 = tpu.vector_load %arg5[%get3A_617] {strides = array<i32>} : memref<32768xi32, #tpu.memory_space<vmem>>, vector<16xi32>,
        %shift_right_logical3A_619 = arith.constant 20 : i32
        %shift_right_logical3A_620 = vector.broadcast %shift_right_logical3A_619 : i32 to vector<16xi32>
        %shift_right_logical3A_621 = arith.shrui %get3A_618, %shift_right_logical3A_620 : vector<16xi32>
        %lt3A_622 = vector.broadcast %reduce_sum3A_133 : i32 to vector<16xi32>
        %lt3A_623 = arith.cmpi slt, %shift_right_logical3A_621, %lt3A_622 : vector<16xi32>
        %xor3A_624 = arith.constant -2147483648 : i32
        %xor3A_625 = vector.broadcast %xor3A_624 : i32 to vector<16xi32>
        %xor3A_626 = arith.xori %get3A_618, %xor3A_625 : vector<16xi32>
        %jit3A_627 = arith.constant -2147483648 : i32
        %broadcast_in_dim3A_628 = vector.broadcast %jit3A_627 : i32 to vector<16xi32>
        %select_n3A_629 = arith.select %lt3A_623, %xor3A_626, %broadcast_in_dim3A_628 : vector<16xi1>, vector<16xi32>
        %max3A_630 = arith.maxsi %max3A_612, %select_n3A_629 : vector<16xi32>
        %mul3A_631 = arith.constant 128 : i32
        %mul3A_632 = arith.muli %scan3A_577, %mul3A_631 : i32
        %add3A_633 = arith.constant 48 : i32
        %add3A_634 = arith.addi %mul3A_632, %add3A_633 : i32
        %get3A_635 = arith.index_cast %add3A_634 : i32 to index
        %get3A_636 = tpu.vector_load %arg5[%get3A_635] {strides = array<i32>} : memref<32768xi32, #tpu.memory_space<vmem>>, vector<16xi32>,
        %shift_right_logical3A_637 = arith.constant 20 : i32
        %shift_right_logical3A_638 = vector.broadcast %shift_right_logical3A_637 : i32 to vector<16xi32>
        %shift_right_logical3A_639 = arith.shrui %get3A_636, %shift_right_logical3A_638 : vector<16xi32>
        %lt3A_640 = vector.broadcast %reduce_sum3A_133 : i32 to vector<16xi32>
        %lt3A_641 = arith.cmpi slt, %shift_right_logical3A_639, %lt3A_640 : vector<16xi32>
        %xor3A_642 = arith.constant -2147483648 : i32
        %xor3A_643 = vector.broadcast %xor3A_642 : i32 to vector<16xi32>
        %xor3A_644 = arith.xori %get3A_636, %xor3A_643 : vector<16xi32>
        %jit3A_645 = arith.constant -2147483648 : i32
        %broadcast_in_dim3A_646 = vector.broadcast %jit3A_645 : i32 to vector<16xi32>
        %select_n3A_647 = arith.select %lt3A_641, %xor3A_644, %broadcast_in_dim3A_646 : vector<16xi1>, vector<16xi32>
        %max3A_648 = arith.maxsi %max3A_630, %select_n3A_647 : vector<16xi32>
        %mul3A_649 = arith.constant 128 : i32
        %mul3A_650 = arith.muli %scan3A_577, %mul3A_649 : i32
        %add3A_651 = arith.constant 64 : i32
        %add3A_652 = arith.addi %mul3A_650, %add3A_651 : i32
        %get3A_653 = arith.index_cast %add3A_652 : i32 to index
        %get3A_654 = tpu.vector_load %arg5[%get3A_653] {strides = array<i32>} : memref<32768xi32, #tpu.memory_space<vmem>>, vector<16xi32>,
        %shift_right_logical3A_655 = arith.constant 20 : i32
        %shift_right_logical3A_656 = vector.broadcast %shift_right_logical3A_655 : i32 to vector<16xi32>
        %shift_right_logical3A_657 = arith.shrui %get3A_654, %shift_right_logical3A_656 : vector<16xi32>
        %lt3A_658 = vector.broadcast %reduce_sum3A_133 : i32 to vector<16xi32>
        %lt3A_659 = arith.cmpi slt, %shift_right_logical3A_657, %lt3A_658 : vector<16xi32>
        %xor3A_660 = arith.constant -2147483648 : i32
        %xor3A_661 = vector.broadcast %xor3A_660 : i32 to vector<16xi32>
        %xor3A_662 = arith.xori %get3A_654, %xor3A_661 : vector<16xi32>
        %jit3A_663 = arith.constant -2147483648 : i32
        %broadcast_in_dim3A_664 = vector.broadcast %jit3A_663 : i32 to vector<16xi32>
        %select_n3A_665 = arith.select %lt3A_659, %xor3A_662, %broadcast_in_dim3A_664 : vector<16xi1>, vector<16xi32>
        %max3A_666 = arith.maxsi %max3A_648, %select_n3A_665 : vector<16xi32>
        %mul3A_667 = arith.constant 128 : i32
        %mul3A_668 = arith.muli %scan3A_577, %mul3A_667 : i32
        %add3A_669 = arith.constant 80 : i32
        %add3A_670 = arith.addi %mul3A_668, %add3A_669 : i32
        %get3A_671 = arith.index_cast %add3A_670 : i32 to index
        %get3A_672 = tpu.vector_load %arg5[%get3A_671] {strides = array<i32>} : memref<32768xi32, #tpu.memory_space<vmem>>, vector<16xi32>,
        %shift_right_logical3A_673 = arith.constant 20 : i32
        %shift_right_logical3A_674 = vector.broadcast %shift_right_logical3A_673 : i32 to vector<16xi32>
        %shift_right_logical3A_675 = arith.shrui %get3A_672, %shift_right_logical3A_674 : vector<16xi32>
        %lt3A_676 = vector.broadcast %reduce_sum3A_133 : i32 to vector<16xi32>
        %lt3A_677 = arith.cmpi slt, %shift_right_logical3A_675, %lt3A_676 : vector<16xi32>
        %xor3A_678 = arith.constant -2147483648 : i32
        %xor3A_679 = vector.broadcast %xor3A_678 : i32 to vector<16xi32>
        %xor3A_680 = arith.xori %get3A_672, %xor3A_679 : vector<16xi32>
        %jit3A_681 = arith.constant -2147483648 : i32
        %broadcast_in_dim3A_682 = vector.broadcast %jit3A_681 : i32 to vector<16xi32>
        %select_n3A_683 = arith.select %lt3A_677, %xor3A_680, %broadcast_in_dim3A_682 : vector<16xi1>, vector<16xi32>
        %max3A_684 = arith.maxsi %max3A_666, %select_n3A_683 : vector<16xi32>
        %mul3A_685 = arith.constant 128 : i32
        %mul3A_686 = arith.muli %scan3A_577, %mul3A_685 : i32
        %add3A_687 = arith.constant 96 : i32
        %add3A_688 = arith.addi %mul3A_686, %add3A_687 : i32
        %get3A_689 = arith.index_cast %add3A_688 : i32 to index
        %get3A_690 = tpu.vector_load %arg5[%get3A_689] {strides = array<i32>} : memref<32768xi32, #tpu.memory_space<vmem>>, vector<16xi32>,
        %shift_right_logical3A_691 = arith.constant 20 : i32
        %shift_right_logical3A_692 = vector.broadcast %shift_right_logical3A_691 : i32 to vector<16xi32>
        %shift_right_logical3A_693 = arith.shrui %get3A_690, %shift_right_logical3A_692 : vector<16xi32>
        %lt3A_694 = vector.broadcast %reduce_sum3A_133 : i32 to vector<16xi32>
        %lt3A_695 = arith.cmpi slt, %shift_right_logical3A_693, %lt3A_694 : vector<16xi32>
        %xor3A_696 = arith.constant -2147483648 : i32
        %xor3A_697 = vector.broadcast %xor3A_696 : i32 to vector<16xi32>
        %xor3A_698 = arith.xori %get3A_690, %xor3A_697 : vector<16xi32>
        %jit3A_699 = arith.constant -2147483648 : i32
        %broadcast_in_dim3A_700 = vector.broadcast %jit3A_699 : i32 to vector<16xi32>
        %select_n3A_701 = arith.select %lt3A_695, %xor3A_698, %broadcast_in_dim3A_700 : vector<16xi1>, vector<16xi32>
        %max3A_702 = arith.maxsi %max3A_684, %select_n3A_701 : vector<16xi32>
        %mul3A_703 = arith.constant 128 : i32
        %mul3A_704 = arith.muli %scan3A_577, %mul3A_703 : i32
        %add3A_705 = arith.constant 112 : i32
        %add3A_706 = arith.addi %mul3A_704, %add3A_705 : i32
        %get3A_707 = arith.index_cast %add3A_706 : i32 to index
        %get3A_708 = tpu.vector_load %arg5[%get3A_707] {strides = array<i32>} : memref<32768xi32, #tpu.memory_space<vmem>>, vector<16xi32>,
        %shift_right_logical3A_709 = arith.constant 20 : i32
        %shift_right_logical3A_710 = vector.broadcast %shift_right_logical3A_709 : i32 to vector<16xi32>
        %shift_right_logical3A_711 = arith.shrui %get3A_708, %shift_right_logical3A_710 : vector<16xi32>
        %lt3A_712 = vector.broadcast %reduce_sum3A_133 : i32 to vector<16xi32>
        %lt3A_713 = arith.cmpi slt, %shift_right_logical3A_711, %lt3A_712 : vector<16xi32>
        %xor3A_714 = arith.constant -2147483648 : i32
        %xor3A_715 = vector.broadcast %xor3A_714 : i32 to vector<16xi32>
        %xor3A_716 = arith.xori %get3A_708, %xor3A_715 : vector<16xi32>
        %jit3A_717 = arith.constant -2147483648 : i32
        %broadcast_in_dim3A_718 = vector.broadcast %jit3A_717 : i32 to vector<16xi32>
        %select_n3A_719 = arith.select %lt3A_713, %xor3A_716, %broadcast_in_dim3A_718 : vector<16xi1>, vector<16xi32>
        %max3A_720 = arith.maxsi %max3A_702, %select_n3A_719 : vector<16xi32>
        scf.yield %max3A_720 : vector<16xi32>
      }
      %scan3A_574 = arith.constant 256 : i32
      %swap3A_575 = arith.constant 0 : index
      %swap3A_576 = tpu.vector_load %arg7[%swap3A_575] {strides = array<i32>} : memref<16xi32, #tpu.memory_space<vmem>>, vector<16xi32>,
      tpu.vector_store %arg7[%swap3A_575], %scan3A_573 {strides = array<i32>} : memref<16xi32, #tpu.memory_space<vmem>>, vector<16xi32>,
    } else {
    }
    %scan3A_159 = arith.constant 0 : i32
    %scan3A_160 = arith.constant 256 : i32
    %scan3A_161 = arith.addi %scan3A_159, %scan3A_160 : i32
    %scan3A_162 = arith.constant 1 : i32
    %scan3A_163 = scf.for %scan3A_566 = %scan3A_159 to %scan3A_161 step %scan3A_162 iter_args(%scan3A_567 = %mul3A_3) -> (vector<16xi32>)  : i32 {
      %mul3A_568 = arith.constant 128 : i32
      %mul3A_569 = arith.muli %scan3A_566, %mul3A_568 : i32
      %add3A_570 = arith.constant 0 : i32
      %add3A_571 = arith.addi %mul3A_569, %add3A_570 : i32
      %get3A_572 = arith.index_cast %add3A_571 : i32 to index
      %get3A_573 = tpu.vector_load %arg5[%get3A_572] {strides = array<i32>} : memref<32768xi32, #tpu.memory_space<vmem>>, vector<16xi32>,
      %shift_right_logical3A = arith.constant 20 : i32
      %shift_right_logical3A_574 = vector.broadcast %shift_right_logical3A : i32 to vector<16xi32>
      %shift_right_logical3A_575 = arith.shrui %get3A_573, %shift_right_logical3A_574 : vector<16xi32>
      %eq3A_576 = vector.broadcast %reduce_sum3A_133 : i32 to vector<16xi32>
      %eq3A_577 = arith.cmpi eq, %shift_right_logical3A_575, %eq3A_576 : vector<16xi32>
      %mul3A_578 = arith.constant 16 : i32
      %mul3A_579 = vector.broadcast %mul3A_578 : i32 to vector<16xi32>
      %mul3A_580 = arith.muli %scan3A_567, %mul3A_579 : vector<16xi32>
      %add3A_581 = arith.addi %iota3A, %mul3A_580 : vector<16xi32>
      tpu.vector_store_idx %arg5[%add3A_581], %get3A_573 masked %eq3A_577 : memref<32768xi32, #tpu.memory_space<vmem>>[vector<16xi32>], vector<16xi32>, vector<16xi1>
      %convert_element_type3A_582 = arith.extui %eq3A_577 : vector<16xi1> to vector<16xi32>
      %add3A_583 = arith.addi %scan3A_567, %convert_element_type3A_582 : vector<16xi32>
      %mul3A_584 = arith.constant 128 : i32
      %mul3A_585 = arith.muli %scan3A_566, %mul3A_584 : i32
      %add3A_586 = arith.constant 16 : i32
      %add3A_587 = arith.addi %mul3A_585, %add3A_586 : i32
      %get3A_588 = arith.index_cast %add3A_587 : i32 to index
      %get3A_589 = tpu.vector_load %arg5[%get3A_588] {strides = array<i32>} : memref<32768xi32, #tpu.memory_space<vmem>>, vector<16xi32>,
      %shift_right_logical3A_590 = arith.constant 20 : i32
      %shift_right_logical3A_591 = vector.broadcast %shift_right_logical3A_590 : i32 to vector<16xi32>
      %shift_right_logical3A_592 = arith.shrui %get3A_589, %shift_right_logical3A_591 : vector<16xi32>
      %eq3A_593 = vector.broadcast %reduce_sum3A_133 : i32 to vector<16xi32>
      %eq3A_594 = arith.cmpi eq, %shift_right_logical3A_592, %eq3A_593 : vector<16xi32>
      %mul3A_595 = arith.constant 16 : i32
      %mul3A_596 = vector.broadcast %mul3A_595 : i32 to vector<16xi32>
      %mul3A_597 = arith.muli %add3A_583, %mul3A_596 : vector<16xi32>
      %add3A_598 = arith.addi %iota3A, %mul3A_597 : vector<16xi32>
      tpu.vector_store_idx %arg5[%add3A_598], %get3A_589 masked %eq3A_594 : memref<32768xi32, #tpu.memory_space<vmem>>[vector<16xi32>], vector<16xi32>, vector<16xi1>
      %convert_element_type3A_599 = arith.extui %eq3A_594 : vector<16xi1> to vector<16xi32>
      %add3A_600 = arith.addi %add3A_583, %convert_element_type3A_599 : vector<16xi32>
      %mul3A_601 = arith.constant 128 : i32
      %mul3A_602 = arith.muli %scan3A_566, %mul3A_601 : i32
      %add3A_603 = arith.constant 32 : i32
      %add3A_604 = arith.addi %mul3A_602, %add3A_603 : i32
      %get3A_605 = arith.index_cast %add3A_604 : i32 to index
      %get3A_606 = tpu.vector_load %arg5[%get3A_605] {strides = array<i32>} : memref<32768xi32, #tpu.memory_space<vmem>>, vector<16xi32>,
      %shift_right_logical3A_607 = arith.constant 20 : i32
      %shift_right_logical3A_608 = vector.broadcast %shift_right_logical3A_607 : i32 to vector<16xi32>
      %shift_right_logical3A_609 = arith.shrui %get3A_606, %shift_right_logical3A_608 : vector<16xi32>
      %eq3A_610 = vector.broadcast %reduce_sum3A_133 : i32 to vector<16xi32>
      %eq3A_611 = arith.cmpi eq, %shift_right_logical3A_609, %eq3A_610 : vector<16xi32>
      %mul3A_612 = arith.constant 16 : i32
      %mul3A_613 = vector.broadcast %mul3A_612 : i32 to vector<16xi32>
      %mul3A_614 = arith.muli %add3A_600, %mul3A_613 : vector<16xi32>
      %add3A_615 = arith.addi %iota3A, %mul3A_614 : vector<16xi32>
      tpu.vector_store_idx %arg5[%add3A_615], %get3A_606 masked %eq3A_611 : memref<32768xi32, #tpu.memory_space<vmem>>[vector<16xi32>], vector<16xi32>, vector<16xi1>
      %convert_element_type3A_616 = arith.extui %eq3A_611 : vector<16xi1> to vector<16xi32>
      %add3A_617 = arith.addi %add3A_600, %convert_element_type3A_616 : vector<16xi32>
      %mul3A_618 = arith.constant 128 : i32
      %mul3A_619 = arith.muli %scan3A_566, %mul3A_618 : i32
      %add3A_620 = arith.constant 48 : i32
      %add3A_621 = arith.addi %mul3A_619, %add3A_620 : i32
      %get3A_622 = arith.index_cast %add3A_621 : i32 to index
      %get3A_623 = tpu.vector_load %arg5[%get3A_622] {strides = array<i32>} : memref<32768xi32, #tpu.memory_space<vmem>>, vector<16xi32>,
      %shift_right_logical3A_624 = arith.constant 20 : i32
      %shift_right_logical3A_625 = vector.broadcast %shift_right_logical3A_624 : i32 to vector<16xi32>
      %shift_right_logical3A_626 = arith.shrui %get3A_623, %shift_right_logical3A_625 : vector<16xi32>
      %eq3A_627 = vector.broadcast %reduce_sum3A_133 : i32 to vector<16xi32>
      %eq3A_628 = arith.cmpi eq, %shift_right_logical3A_626, %eq3A_627 : vector<16xi32>
      %mul3A_629 = arith.constant 16 : i32
      %mul3A_630 = vector.broadcast %mul3A_629 : i32 to vector<16xi32>
      %mul3A_631 = arith.muli %add3A_617, %mul3A_630 : vector<16xi32>
      %add3A_632 = arith.addi %iota3A, %mul3A_631 : vector<16xi32>
      tpu.vector_store_idx %arg5[%add3A_632], %get3A_623 masked %eq3A_628 : memref<32768xi32, #tpu.memory_space<vmem>>[vector<16xi32>], vector<16xi32>, vector<16xi1>
      %convert_element_type3A_633 = arith.extui %eq3A_628 : vector<16xi1> to vector<16xi32>
      %add3A_634 = arith.addi %add3A_617, %convert_element_type3A_633 : vector<16xi32>
      %mul3A_635 = arith.constant 128 : i32
      %mul3A_636 = arith.muli %scan3A_566, %mul3A_635 : i32
      %add3A_637 = arith.constant 64 : i32
      %add3A_638 = arith.addi %mul3A_636, %add3A_637 : i32
      %get3A_639 = arith.index_cast %add3A_638 : i32 to index
      %get3A_640 = tpu.vector_load %arg5[%get3A_639] {strides = array<i32>} : memref<32768xi32, #tpu.memory_space<vmem>>, vector<16xi32>,
      %shift_right_logical3A_641 = arith.constant 20 : i32
      %shift_right_logical3A_642 = vector.broadcast %shift_right_logical3A_641 : i32 to vector<16xi32>
      %shift_right_logical3A_643 = arith.shrui %get3A_640, %shift_right_logical3A_642 : vector<16xi32>
      %eq3A_644 = vector.broadcast %reduce_sum3A_133 : i32 to vector<16xi32>
      %eq3A_645 = arith.cmpi eq, %shift_right_logical3A_643, %eq3A_644 : vector<16xi32>
      %mul3A_646 = arith.constant 16 : i32
      %mul3A_647 = vector.broadcast %mul3A_646 : i32 to vector<16xi32>
      %mul3A_648 = arith.muli %add3A_634, %mul3A_647 : vector<16xi32>
      %add3A_649 = arith.addi %iota3A, %mul3A_648 : vector<16xi32>
      tpu.vector_store_idx %arg5[%add3A_649], %get3A_640 masked %eq3A_645 : memref<32768xi32, #tpu.memory_space<vmem>>[vector<16xi32>], vector<16xi32>, vector<16xi1>
      %convert_element_type3A_650 = arith.extui %eq3A_645 : vector<16xi1> to vector<16xi32>
      %add3A_651 = arith.addi %add3A_634, %convert_element_type3A_650 : vector<16xi32>
      %mul3A_652 = arith.constant 128 : i32
      %mul3A_653 = arith.muli %scan3A_566, %mul3A_652 : i32
      %add3A_654 = arith.constant 80 : i32
      %add3A_655 = arith.addi %mul3A_653, %add3A_654 : i32
      %get3A_656 = arith.index_cast %add3A_655 : i32 to index
      %get3A_657 = tpu.vector_load %arg5[%get3A_656] {strides = array<i32>} : memref<32768xi32, #tpu.memory_space<vmem>>, vector<16xi32>,
      %shift_right_logical3A_658 = arith.constant 20 : i32
      %shift_right_logical3A_659 = vector.broadcast %shift_right_logical3A_658 : i32 to vector<16xi32>
      %shift_right_logical3A_660 = arith.shrui %get3A_657, %shift_right_logical3A_659 : vector<16xi32>
      %eq3A_661 = vector.broadcast %reduce_sum3A_133 : i32 to vector<16xi32>
      %eq3A_662 = arith.cmpi eq, %shift_right_logical3A_660, %eq3A_661 : vector<16xi32>
      %mul3A_663 = arith.constant 16 : i32
      %mul3A_664 = vector.broadcast %mul3A_663 : i32 to vector<16xi32>
      %mul3A_665 = arith.muli %add3A_651, %mul3A_664 : vector<16xi32>
      %add3A_666 = arith.addi %iota3A, %mul3A_665 : vector<16xi32>
      tpu.vector_store_idx %arg5[%add3A_666], %get3A_657 masked %eq3A_662 : memref<32768xi32, #tpu.memory_space<vmem>>[vector<16xi32>], vector<16xi32>, vector<16xi1>
      %convert_element_type3A_667 = arith.extui %eq3A_662 : vector<16xi1> to vector<16xi32>
      %add3A_668 = arith.addi %add3A_651, %convert_element_type3A_667 : vector<16xi32>
      %mul3A_669 = arith.constant 128 : i32
      %mul3A_670 = arith.muli %scan3A_566, %mul3A_669 : i32
      %add3A_671 = arith.constant 96 : i32
      %add3A_672 = arith.addi %mul3A_670, %add3A_671 : i32
      %get3A_673 = arith.index_cast %add3A_672 : i32 to index
      %get3A_674 = tpu.vector_load %arg5[%get3A_673] {strides = array<i32>} : memref<32768xi32, #tpu.memory_space<vmem>>, vector<16xi32>,
      %shift_right_logical3A_675 = arith.constant 20 : i32
      %shift_right_logical3A_676 = vector.broadcast %shift_right_logical3A_675 : i32 to vector<16xi32>
      %shift_right_logical3A_677 = arith.shrui %get3A_674, %shift_right_logical3A_676 : vector<16xi32>
      %eq3A_678 = vector.broadcast %reduce_sum3A_133 : i32 to vector<16xi32>
      %eq3A_679 = arith.cmpi eq, %shift_right_logical3A_677, %eq3A_678 : vector<16xi32>
      %mul3A_680 = arith.constant 16 : i32
      %mul3A_681 = vector.broadcast %mul3A_680 : i32 to vector<16xi32>
      %mul3A_682 = arith.muli %add3A_668, %mul3A_681 : vector<16xi32>
      %add3A_683 = arith.addi %iota3A, %mul3A_682 : vector<16xi32>
      tpu.vector_store_idx %arg5[%add3A_683], %get3A_674 masked %eq3A_679 : memref<32768xi32, #tpu.memory_space<vmem>>[vector<16xi32>], vector<16xi32>, vector<16xi1>
      %convert_element_type3A_684 = arith.extui %eq3A_679 : vector<16xi1> to vector<16xi32>
      %add3A_685 = arith.addi %add3A_668, %convert_element_type3A_684 : vector<16xi32>
      %mul3A_686 = arith.constant 128 : i32
      %mul3A_687 = arith.muli %scan3A_566, %mul3A_686 : i32
      %add3A_688 = arith.constant 112 : i32
      %add3A_689 = arith.addi %mul3A_687, %add3A_688 : i32
      %get3A_690 = arith.index_cast %add3A_689 : i32 to index
      %get3A_691 = tpu.vector_load %arg5[%get3A_690] {strides = array<i32>} : memref<32768xi32, #tpu.memory_space<vmem>>, vector<16xi32>,
      %shift_right_logical3A_692 = arith.constant 20 : i32
      %shift_right_logical3A_693 = vector.broadcast %shift_right_logical3A_692 : i32 to vector<16xi32>
      %shift_right_logical3A_694 = arith.shrui %get3A_691, %shift_right_logical3A_693 : vector<16xi32>
      %eq3A_695 = vector.broadcast %reduce_sum3A_133 : i32 to vector<16xi32>
      %eq3A_696 = arith.cmpi eq, %shift_right_logical3A_694, %eq3A_695 : vector<16xi32>
      %mul3A_697 = arith.constant 16 : i32
      %mul3A_698 = vector.broadcast %mul3A_697 : i32 to vector<16xi32>
      %mul3A_699 = arith.muli %add3A_685, %mul3A_698 : vector<16xi32>
      %add3A_700 = arith.addi %iota3A, %mul3A_699 : vector<16xi32>
      tpu.vector_store_idx %arg5[%add3A_700], %get3A_691 masked %eq3A_696 : memref<32768xi32, #tpu.memory_space<vmem>>[vector<16xi32>], vector<16xi32>, vector<16xi1>
      %convert_element_type3A_701 = arith.extui %eq3A_696 : vector<16xi1> to vector<16xi32>
      %add3A_702 = arith.addi %add3A_685, %convert_element_type3A_701 : vector<16xi32>
      scf.yield %add3A_702 : vector<16xi32>
    }
    %scan3A_164 = arith.constant 256 : i32
    %reduce_max3A = arith.constant true
    %reduce_max3A_165 = vector.broadcast %reduce_max3A : i1 to vector<16xi1>
    %reduce_max3A_166 = arith.constant -2147483648 : i32
    %reduce_max3A_167 = vector.broadcast %reduce_max3A_166 : i32 to vector<16xi32>
    %reduce_max3A_168 = arith.xori %scan3A_163, %reduce_max3A_167 : vector<16xi32>
    %reduce_max3A_169 = tpu.scan <max>, %reduce_max3A_168 masked %reduce_max3A_165 : vector<16xi32>, vector<16xi1> -> vector<16xi32>
    %reduce_max3A_170 = arith.xori %reduce_max3A_169, %reduce_max3A_167 : vector<16xi32>
    %reduce_max3A_171 = vector.extract %reduce_max3A_170[15] : i32 from vector<16xi32>
    %while3A = arith.constant 0 : i32
    %while3A_172 = arith.constant 0 : i32
    %while3A_173 = arith.subi %reduce_max3A_171, %while3A : i32
    %while3A_174 = arith.addi %while3A, %while3A_173 : i32
    %while3A_175 = arith.constant 1 : i32
    %while3A_176 = arith.divsi %while3A_173, %while3A_175 : i32
    %while3A_177 = arith.muli %while3A_176, %while3A_175 : i32
    %while3A_178 = arith.addi %while3A, %while3A_177 : i32
    %while3A_179 = arith.constant 1 : i32
    %while3A_180 = scf.for %while3A_566 = %while3A to %while3A_178 step %while3A_179 iter_args(%while3A_567 = %while3A_172) -> (i32)  : i32 {
      %mul3A_568 = arith.constant 16 : i32
      %mul3A_569 = arith.muli %while3A_566, %mul3A_568 : i32
      %add3A_570 = vector.broadcast %mul3A_569 : i32 to vector<16xi32>
      %add3A_571 = arith.addi %iota3A, %add3A_570 : vector<16xi32>
      %gather3A_572 = tpu.vector_load_idx %arg5[%add3A_571] : memref<32768xi32, #tpu.memory_space<vmem>>[vector<16xi32>], vector<16xi32>,
      %shift_right_logical3A = arith.constant 8 : i32
      %shift_right_logical3A_573 = vector.broadcast %shift_right_logical3A : i32 to vector<16xi32>
      %shift_right_logical3A_574 = arith.shrui %gather3A_572, %shift_right_logical3A_573 : vector<16xi32>
      %and3A_575 = arith.constant 4095 : i32
      %and3A_576 = vector.broadcast %and3A_575 : i32 to vector<16xi32>
      %and3A_577 = arith.andi %shift_right_logical3A_574, %and3A_576 : vector<16xi32>
      %lt3A_578 = vector.broadcast %while3A_566 : i32 to vector<16xi32>
      %lt3A_579 = arith.cmpi slt, %lt3A_578, %scan3A_163 : vector<16xi32>
      tpu.vector_store_idx %arg6[%and3A_577], %add3A_6 masked %lt3A_579 {add = true} : memref<4096xi32, #tpu.memory_space<vmem>>[vector<16xi32>], vector<16xi32>, vector<16xi1>
      %while3A_580 = arith.constant 0 : i32
      scf.yield %while3A_580 : i32
    }
    %while3A_181 = arith.constant 1 : i32
    %while3A_182 = scf.for %while3A_566 = %while3A_178 to %while3A_174 step %while3A_181 iter_args(%while3A_567 = %while3A_180) -> (i32)  : i32 {
      %mul3A_568 = arith.constant 16 : i32
      %mul3A_569 = arith.muli %while3A_566, %mul3A_568 : i32
      %add3A_570 = vector.broadcast %mul3A_569 : i32 to vector<16xi32>
      %add3A_571 = arith.addi %iota3A, %add3A_570 : vector<16xi32>
      %gather3A_572 = tpu.vector_load_idx %arg5[%add3A_571] : memref<32768xi32, #tpu.memory_space<vmem>>[vector<16xi32>], vector<16xi32>,
      %shift_right_logical3A = arith.constant 8 : i32
      %shift_right_logical3A_573 = vector.broadcast %shift_right_logical3A : i32 to vector<16xi32>
      %shift_right_logical3A_574 = arith.shrui %gather3A_572, %shift_right_logical3A_573 : vector<16xi32>
      %and3A_575 = arith.constant 4095 : i32
      %and3A_576 = vector.broadcast %and3A_575 : i32 to vector<16xi32>
      %and3A_577 = arith.andi %shift_right_logical3A_574, %and3A_576 : vector<16xi32>
      %lt3A_578 = vector.broadcast %while3A_566 : i32 to vector<16xi32>
      %lt3A_579 = arith.cmpi slt, %lt3A_578, %scan3A_163 : vector<16xi32>
      tpu.vector_store_idx %arg6[%and3A_577], %add3A_6 masked %lt3A_579 {add = true} : memref<4096xi32, #tpu.memory_space<vmem>>[vector<16xi32>], vector<16xi32>, vector<16xi1>
      %while3A_580 = arith.constant 0 : i32
      scf.yield %while3A_580 : i32
    }
    %sub3A_183 = arith.constant 1639 : i32
    %sub3A_184 = arith.subi %sub3A_183, %reduce_sum3A_138 : i32
    %mul3A_185 = arith.constant 256 : i32
    %mul3A_186 = vector.broadcast %mul3A_185 : i32 to vector<16xi32>
    %mul3A_187 = arith.muli %iota3A, %mul3A_186 : vector<16xi32>
    %scan3A_188 = arith.constant 0 : i32
    %scan3A_189 = arith.constant 256 : i32
    %scan3A_190 = arith.addi %scan3A_188, %scan3A_189 : i32
    %scan3A_191 = arith.constant 1 : i32
    %scan3A_192 = scf.for %scan3A_566 = %scan3A_188 to %scan3A_190 step %scan3A_191 iter_args(%scan3A_567 = %mul3A_3) -> (vector<16xi32>)  : i32 {
      %add3A_568 = vector.broadcast %scan3A_566 : i32 to vector<16xi32>
      %add3A_569 = arith.addi %mul3A_187, %add3A_568 : vector<16xi32>
      %gather3A_570 = tpu.vector_load_idx %arg6[%add3A_569] : memref<4096xi32, #tpu.memory_space<vmem>>[vector<16xi32>], vector<16xi32>,
      %add3A_571 = arith.addi %scan3A_567, %gather3A_570 : vector<16xi32>
      scf.yield %add3A_571 : vector<16xi32>
    }
    %scan3A_193 = arith.constant 256 : i32
    %rev3A_194 = arith.constant 15 : i32
    %rev3A_195 = vector.broadcast %rev3A_194 : i32 to vector<16xi32>
    %rev3A_196 = tpu.iota {dimensions = array<i32: 0>} : vector<16xi32>
    %rev3A_197 = arith.subi %rev3A_195, %rev3A_196 : vector<16xi32>
    %rev3A_198 = tpu.dynamic_gather %scan3A_192[%rev3A_197] in [0] : vector<16xi32>, vector<16xi32> -> vector<16xi32>
    %broadcast_in_dim3A_199 = arith.constant true
    %broadcast_in_dim3A_200 = vector.broadcast %broadcast_in_dim3A_199 : i1 to vector<16xi1>
    %masked_cumsum3A_201 = tpu.scan <sum>, %rev3A_198 masked %broadcast_in_dim3A_200 : vector<16xi32>, vector<16xi1> -> vector<16xi32>
    %rev3A_202 = arith.constant 15 : i32
    %rev3A_203 = vector.broadcast %rev3A_202 : i32 to vector<16xi32>
    %rev3A_204 = tpu.iota {dimensions = array<i32: 0>} : vector<16xi32>
    %rev3A_205 = arith.subi %rev3A_203, %rev3A_204 : vector<16xi32>
    %rev3A_206 = tpu.dynamic_gather %masked_cumsum3A_201[%rev3A_205] in [0] : vector<16xi32>, vector<16xi32> -> vector<16xi32>
    %sub3A_207 = arith.subi %rev3A_206, %scan3A_192 : vector<16xi32>
    %ge3A_208 = vector.broadcast %sub3A_184 : i32 to vector<16xi32>
    %ge3A_209 = arith.cmpi sge, %rev3A_206, %ge3A_208 : vector<16xi32>
    %lt3A_210 = vector.broadcast %sub3A_184 : i32 to vector<16xi32>
    %lt3A_211 = arith.cmpi slt, %sub3A_207, %lt3A_210 : vector<16xi32>
    %and3A_212 = arith.andi %ge3A_209, %lt3A_211 : vector<16xi1>
    %convert_element_type3A_213 = arith.extui %and3A_212 : vector<16xi1> to vector<16xi32>
    %mul3A_214 = arith.muli %convert_element_type3A_213, %iota3A : vector<16xi32>
    %reduce_sum3A_215 = arith.constant true
    %reduce_sum3A_216 = vector.broadcast %reduce_sum3A_215 : i1 to vector<16xi1>
    %reduce_sum3A_217 = tpu.scan <sum>, %mul3A_214 masked %reduce_sum3A_216 : vector<16xi32>, vector<16xi1> -> vector<16xi32>
    %reduce_sum3A_218 = vector.extract %reduce_sum3A_217[15] : i32 from vector<16xi32>
    %mul3A_219 = arith.muli %convert_element_type3A_213, %sub3A_207 : vector<16xi32>
    %reduce_sum3A_220 = arith.constant true
    %reduce_sum3A_221 = vector.broadcast %reduce_sum3A_220 : i1 to vector<16xi1>
    %reduce_sum3A_222 = tpu.scan <sum>, %mul3A_219 masked %reduce_sum3A_221 : vector<16xi32>, vector<16xi1> -> vector<16xi32>
    %reduce_sum3A_223 = vector.extract %reduce_sum3A_222[15] : i32 from vector<16xi32>
    %mul3A_224 = arith.constant 256 : i32
    %mul3A_225 = arith.muli %reduce_sum3A_218, %mul3A_224 : i32
    %scan3A_226 = arith.constant 0 : i32
    %scan3A_227 = arith.constant 16 : i32
    %scan3A_228 = arith.addi %scan3A_226, %scan3A_227 : i32
    %scan3A_229 = arith.constant 1 : i32
    %scan3A_230 = scf.for %scan3A_566 = %scan3A_226 to %scan3A_228 step %scan3A_229 iter_args(%scan3A_567 = %mul3A_3) -> (vector<16xi32>)  : i32 {
      %mul3A_568 = arith.constant 16 : i32
      %mul3A_569 = vector.broadcast %mul3A_568 : i32 to vector<16xi32>
      %mul3A_570 = arith.muli %iota3A, %mul3A_569 : vector<16xi32>
      %add3A_571 = vector.broadcast %mul3A_225 : i32 to vector<16xi32>
      %add3A_572 = arith.addi %add3A_571, %mul3A_570 : vector<16xi32>
      %add3A_573 = vector.broadcast %scan3A_566 : i32 to vector<16xi32>
      %add3A_574 = arith.addi %add3A_572, %add3A_573 : vector<16xi32>
      %gather3A_575 = tpu.vector_load_idx %arg6[%add3A_574] : memref<4096xi32, #tpu.memory_space<vmem>>[vector<16xi32>], vector<16xi32>,
      %add3A_576 = arith.addi %scan3A_567, %gather3A_575 : vector<16xi32>
      scf.yield %add3A_576 : vector<16xi32>
    }
    %scan3A_231 = arith.constant 16 : i32
    %rev3A_232 = arith.constant 15 : i32
    %rev3A_233 = vector.broadcast %rev3A_232 : i32 to vector<16xi32>
    %rev3A_234 = tpu.iota {dimensions = array<i32: 0>} : vector<16xi32>
    %rev3A_235 = arith.subi %rev3A_233, %rev3A_234 : vector<16xi32>
    %rev3A_236 = tpu.dynamic_gather %scan3A_230[%rev3A_235] in [0] : vector<16xi32>, vector<16xi32> -> vector<16xi32>
    %broadcast_in_dim3A_237 = arith.constant true
    %broadcast_in_dim3A_238 = vector.broadcast %broadcast_in_dim3A_237 : i1 to vector<16xi1>
    %masked_cumsum3A_239 = tpu.scan <sum>, %rev3A_236 masked %broadcast_in_dim3A_238 : vector<16xi32>, vector<16xi1> -> vector<16xi32>
    %rev3A_240 = arith.constant 15 : i32
    %rev3A_241 = vector.broadcast %rev3A_240 : i32 to vector<16xi32>
    %rev3A_242 = tpu.iota {dimensions = array<i32: 0>} : vector<16xi32>
    %rev3A_243 = arith.subi %rev3A_241, %rev3A_242 : vector<16xi32>
    %rev3A_244 = tpu.dynamic_gather %masked_cumsum3A_239[%rev3A_243] in [0] : vector<16xi32>, vector<16xi32> -> vector<16xi32>
    %add3A_245 = vector.broadcast %reduce_sum3A_223 : i32 to vector<16xi32>
    %add3A_246 = arith.addi %add3A_245, %rev3A_244 : vector<16xi32>
    %sub3A_247 = arith.subi %add3A_246, %scan3A_230 : vector<16xi32>
    %ge3A_248 = vector.broadcast %sub3A_184 : i32 to vector<16xi32>
    %ge3A_249 = arith.cmpi sge, %add3A_246, %ge3A_248 : vector<16xi32>
    %lt3A_250 = vector.broadcast %sub3A_184 : i32 to vector<16xi32>
    %lt3A_251 = arith.cmpi slt, %sub3A_247, %lt3A_250 : vector<16xi32>
    %and3A_252 = arith.andi %ge3A_249, %lt3A_251 : vector<16xi1>
    %convert_element_type3A_253 = arith.extui %and3A_252 : vector<16xi1> to vector<16xi32>
    %mul3A_254 = arith.muli %convert_element_type3A_253, %iota3A : vector<16xi32>
    %reduce_sum3A_255 = arith.constant true
    %reduce_sum3A_256 = vector.broadcast %reduce_sum3A_255 : i1 to vector<16xi1>
    %reduce_sum3A_257 = tpu.scan <sum>, %mul3A_254 masked %reduce_sum3A_256 : vector<16xi32>, vector<16xi1> -> vector<16xi32>
    %reduce_sum3A_258 = vector.extract %reduce_sum3A_257[15] : i32 from vector<16xi32>
    %mul3A_259 = arith.muli %convert_element_type3A_253, %sub3A_247 : vector<16xi32>
    %reduce_sum3A_260 = arith.constant true
    %reduce_sum3A_261 = vector.broadcast %reduce_sum3A_260 : i1 to vector<16xi1>
    %reduce_sum3A_262 = tpu.scan <sum>, %mul3A_259 masked %reduce_sum3A_261 : vector<16xi32>, vector<16xi1> -> vector<16xi32>
    %reduce_sum3A_263 = vector.extract %reduce_sum3A_262[15] : i32 from vector<16xi32>
    %mul3A_264 = arith.constant 16 : i32
    %mul3A_265 = arith.muli %reduce_sum3A_258, %mul3A_264 : i32
    %add3A_266 = arith.addi %mul3A_225, %mul3A_265 : i32
    %add3A_267 = vector.broadcast %add3A_266 : i32 to vector<16xi32>
    %add3A_268 = arith.addi %add3A_267, %iota3A : vector<16xi32>
    %gather3A_269 = tpu.vector_load_idx %arg6[%add3A_268] : memref<4096xi32, #tpu.memory_space<vmem>>[vector<16xi32>], vector<16xi32>,
    %rev3A_270 = arith.constant 15 : i32
    %rev3A_271 = vector.broadcast %rev3A_270 : i32 to vector<16xi32>
    %rev3A_272 = tpu.iota {dimensions = array<i32: 0>} : vector<16xi32>
    %rev3A_273 = arith.subi %rev3A_271, %rev3A_272 : vector<16xi32>
    %rev3A_274 = tpu.dynamic_gather %gather3A_269[%rev3A_273] in [0] : vector<16xi32>, vector<16xi32> -> vector<16xi32>
    %broadcast_in_dim3A_275 = arith.constant true
    %broadcast_in_dim3A_276 = vector.broadcast %broadcast_in_dim3A_275 : i1 to vector<16xi1>
    %masked_cumsum3A_277 = tpu.scan <sum>, %rev3A_274 masked %broadcast_in_dim3A_276 : vector<16xi32>, vector<16xi1> -> vector<16xi32>
    %rev3A_278 = arith.constant 15 : i32
    %rev3A_279 = vector.broadcast %rev3A_278 : i32 to vector<16xi32>
    %rev3A_280 = tpu.iota {dimensions = array<i32: 0>} : vector<16xi32>
    %rev3A_281 = arith.subi %rev3A_279, %rev3A_280 : vector<16xi32>
    %rev3A_282 = tpu.dynamic_gather %masked_cumsum3A_277[%rev3A_281] in [0] : vector<16xi32>, vector<16xi32> -> vector<16xi32>
    %add3A_283 = vector.broadcast %reduce_sum3A_263 : i32 to vector<16xi32>
    %add3A_284 = arith.addi %add3A_283, %rev3A_282 : vector<16xi32>
    %sub3A_285 = arith.subi %add3A_284, %gather3A_269 : vector<16xi32>
    %ge3A_286 = vector.broadcast %sub3A_184 : i32 to vector<16xi32>
    %ge3A_287 = arith.cmpi sge, %add3A_284, %ge3A_286 : vector<16xi32>
    %lt3A_288 = vector.broadcast %sub3A_184 : i32 to vector<16xi32>
    %lt3A_289 = arith.cmpi slt, %sub3A_285, %lt3A_288 : vector<16xi32>
    %and3A_290 = arith.andi %ge3A_287, %lt3A_289 : vector<16xi1>
    %convert_element_type3A_291 = arith.extui %and3A_290 : vector<16xi1> to vector<16xi32>
    %add3A_292 = vector.broadcast %add3A_266 : i32 to vector<16xi32>
    %add3A_293 = arith.addi %add3A_292, %iota3A : vector<16xi32>
    %mul3A_294 = arith.muli %convert_element_type3A_291, %add3A_293 : vector<16xi32>
    %reduce_sum3A_295 = arith.constant true
    %reduce_sum3A_296 = vector.broadcast %reduce_sum3A_295 : i1 to vector<16xi1>
    %reduce_sum3A_297 = tpu.scan <sum>, %mul3A_294 masked %reduce_sum3A_296 : vector<16xi32>, vector<16xi1> -> vector<16xi32>
    %reduce_sum3A_298 = vector.extract %reduce_sum3A_297[15] : i32 from vector<16xi32>
    %mul3A_299 = arith.muli %convert_element_type3A_291, %sub3A_285 : vector<16xi32>
    %reduce_sum3A_300 = arith.constant true
    %reduce_sum3A_301 = vector.broadcast %reduce_sum3A_300 : i1 to vector<16xi1>
    %reduce_sum3A_302 = tpu.scan <sum>, %mul3A_299 masked %reduce_sum3A_301 : vector<16xi32>, vector<16xi1> -> vector<16xi32>
    %reduce_sum3A_303 = vector.extract %reduce_sum3A_302[15] : i32 from vector<16xi32>
    %mul3A_304 = arith.muli %convert_element_type3A_291, %gather3A_269 : vector<16xi32>
    %reduce_sum3A_305 = arith.constant true
    %reduce_sum3A_306 = vector.broadcast %reduce_sum3A_305 : i1 to vector<16xi1>
    %reduce_sum3A_307 = tpu.scan <sum>, %mul3A_304 masked %reduce_sum3A_306 : vector<16xi32>, vector<16xi1> -> vector<16xi32>
    %reduce_sum3A_308 = vector.extract %reduce_sum3A_307[15] : i32 from vector<16xi32>
    %while3A_309 = arith.constant 0 : i32
    %while3A_310 = arith.constant 0 : i32
    %while3A_311 = arith.subi %reduce_max3A_171, %while3A_309 : i32
    %while3A_312 = arith.addi %while3A_309, %while3A_311 : i32
    %while3A_313 = arith.constant 1 : i32
    %while3A_314 = arith.divsi %while3A_311, %while3A_313 : i32
    %while3A_315 = arith.muli %while3A_314, %while3A_313 : i32
    %while3A_316 = arith.addi %while3A_309, %while3A_315 : i32
    %while3A_317 = arith.constant 1 : i32
    %while3A_318 = scf.for %while3A_566 = %while3A_309 to %while3A_316 step %while3A_317 iter_args(%while3A_567 = %while3A_310) -> (i32)  : i32 {
      %mul3A_568 = arith.constant 16 : i32
      %mul3A_569 = arith.muli %while3A_566, %mul3A_568 : i32
      %add3A_570 = vector.broadcast %mul3A_569 : i32 to vector<16xi32>
      %add3A_571 = arith.addi %iota3A, %add3A_570 : vector<16xi32>
      %gather3A_572 = tpu.vector_load_idx %arg5[%add3A_571] : memref<32768xi32, #tpu.memory_space<vmem>>[vector<16xi32>], vector<16xi32>,
      %shift_right_logical3A = arith.constant 8 : i32
      %shift_right_logical3A_573 = vector.broadcast %shift_right_logical3A : i32 to vector<16xi32>
      %shift_right_logical3A_574 = arith.shrui %gather3A_572, %shift_right_logical3A_573 : vector<16xi32>
      %and3A_575 = arith.constant 4095 : i32
      %and3A_576 = vector.broadcast %and3A_575 : i32 to vector<16xi32>
      %and3A_577 = arith.andi %shift_right_logical3A_574, %and3A_576 : vector<16xi32>
      %lt3A_578 = vector.broadcast %while3A_566 : i32 to vector<16xi32>
      %lt3A_579 = arith.cmpi slt, %lt3A_578, %scan3A_163 : vector<16xi32>
      tpu.vector_store_idx %arg6[%and3A_577], %mul3A_3 masked %lt3A_579 : memref<4096xi32, #tpu.memory_space<vmem>>[vector<16xi32>], vector<16xi32>, vector<16xi1>
      %while3A_580 = arith.constant 0 : i32
      scf.yield %while3A_580 : i32
    }
    %while3A_319 = arith.constant 1 : i32
    %while3A_320 = scf.for %while3A_566 = %while3A_316 to %while3A_312 step %while3A_319 iter_args(%while3A_567 = %while3A_318) -> (i32)  : i32 {
      %mul3A_568 = arith.constant 16 : i32
      %mul3A_569 = arith.muli %while3A_566, %mul3A_568 : i32
      %add3A_570 = vector.broadcast %mul3A_569 : i32 to vector<16xi32>
      %add3A_571 = arith.addi %iota3A, %add3A_570 : vector<16xi32>
      %gather3A_572 = tpu.vector_load_idx %arg5[%add3A_571] : memref<32768xi32, #tpu.memory_space<vmem>>[vector<16xi32>], vector<16xi32>,
      %shift_right_logical3A = arith.constant 8 : i32
      %shift_right_logical3A_573 = vector.broadcast %shift_right_logical3A : i32 to vector<16xi32>
      %shift_right_logical3A_574 = arith.shrui %gather3A_572, %shift_right_logical3A_573 : vector<16xi32>
      %and3A_575 = arith.constant 4095 : i32
      %and3A_576 = vector.broadcast %and3A_575 : i32 to vector<16xi32>
      %and3A_577 = arith.andi %shift_right_logical3A_574, %and3A_576 : vector<16xi32>
      %lt3A_578 = vector.broadcast %while3A_566 : i32 to vector<16xi32>
      %lt3A_579 = arith.cmpi slt, %lt3A_578, %scan3A_163 : vector<16xi32>
      tpu.vector_store_idx %arg6[%and3A_577], %mul3A_3 masked %lt3A_579 : memref<4096xi32, #tpu.memory_space<vmem>>[vector<16xi32>], vector<16xi32>, vector<16xi1>
      %while3A_580 = arith.constant 0 : i32
      scf.yield %while3A_580 : i32
    }
    %add3A_321 = arith.constant -2147483648 : i32
    %add3A_322 = vector.broadcast %add3A_321 : i32 to vector<16xi32>
    %add3A_323 = arith.addi %mul3A_3, %add3A_322 : vector<16xi32>
    %while3A_324 = arith.constant 0 : i32
    %while3A_325 = arith.subi %reduce_max3A_171, %while3A_324 : i32
    %while3A_326 = arith.addi %while3A_324, %while3A_325 : i32
    %while3A_327 = arith.constant 1 : i32
    %while3A_328 = arith.divsi %while3A_325, %while3A_327 : i32
    %while3A_329 = arith.muli %while3A_328, %while3A_327 : i32
    %while3A_330 = arith.addi %while3A_324, %while3A_329 : i32
    %while3A_331 = arith.constant 1 : i32
    %while3A_332 = scf.for %while3A_566 = %while3A_324 to %while3A_330 step %while3A_331 iter_args(%while3A_567 = %add3A_323) -> (vector<16xi32>)  : i32 {
      %mul3A_568 = arith.constant 16 : i32
      %mul3A_569 = arith.muli %while3A_566, %mul3A_568 : i32
      %add3A_570 = vector.broadcast %mul3A_569 : i32 to vector<16xi32>
      %add3A_571 = arith.addi %iota3A, %add3A_570 : vector<16xi32>
      %gather3A_572 = tpu.vector_load_idx %arg5[%add3A_571] : memref<32768xi32, #tpu.memory_space<vmem>>[vector<16xi32>], vector<16xi32>,
      %lt3A_573 = vector.broadcast %while3A_566 : i32 to vector<16xi32>
      %lt3A_574 = arith.cmpi slt, %lt3A_573, %scan3A_163 : vector<16xi32>
      %shift_right_logical3A = arith.constant 8 : i32
      %shift_right_logical3A_575 = vector.broadcast %shift_right_logical3A : i32 to vector<16xi32>
      %shift_right_logical3A_576 = arith.shrui %gather3A_572, %shift_right_logical3A_575 : vector<16xi32>
      %and3A_577 = arith.constant 4095 : i32
      %and3A_578 = vector.broadcast %and3A_577 : i32 to vector<16xi32>
      %and3A_579 = arith.andi %shift_right_logical3A_576, %and3A_578 : vector<16xi32>
      %lt3A_580 = vector.broadcast %reduce_sum3A_298 : i32 to vector<16xi32>
      %lt3A_581 = arith.cmpi slt, %and3A_579, %lt3A_580 : vector<16xi32>
      %and3A_582 = arith.andi %lt3A_574, %lt3A_581 : vector<16xi1>
      %xor3A_583 = arith.constant -2147483648 : i32
      %xor3A_584 = vector.broadcast %xor3A_583 : i32 to vector<16xi32>
      %xor3A_585 = arith.xori %gather3A_572, %xor3A_584 : vector<16xi32>
      %jit3A = arith.constant -2147483648 : i32
      %broadcast_in_dim3A_586 = vector.broadcast %jit3A : i32 to vector<16xi32>
      %select_n3A_587 = arith.select %and3A_582, %xor3A_585, %broadcast_in_dim3A_586 : vector<16xi1>, vector<16xi32>
      %max3A_588 = arith.maxsi %while3A_567, %select_n3A_587 : vector<16xi32>
      %and3A_589 = arith.constant 255 : i32
      %and3A_590 = vector.broadcast %and3A_589 : i32 to vector<16xi32>
      %and3A_591 = arith.andi %gather3A_572, %and3A_590 : vector<16xi32>
      %eq3A_592 = vector.broadcast %reduce_sum3A_298 : i32 to vector<16xi32>
      %eq3A_593 = arith.cmpi eq, %and3A_579, %eq3A_592 : vector<16xi32>
      %and3A_594 = arith.andi %lt3A_574, %eq3A_593 : vector<16xi1>
      tpu.vector_store_idx %arg6[%and3A_591], %add3A_6 masked %and3A_594 {add = true} : memref<4096xi32, #tpu.memory_space<vmem>>[vector<16xi32>], vector<16xi32>, vector<16xi1>
      scf.yield %max3A_588 : vector<16xi32>
    }
    %while3A_333 = arith.constant 1 : i32
    %while3A_334 = scf.for %while3A_566 = %while3A_330 to %while3A_326 step %while3A_333 iter_args(%while3A_567 = %while3A_332) -> (vector<16xi32>)  : i32 {
      %mul3A_568 = arith.constant 16 : i32
      %mul3A_569 = arith.muli %while3A_566, %mul3A_568 : i32
      %add3A_570 = vector.broadcast %mul3A_569 : i32 to vector<16xi32>
      %add3A_571 = arith.addi %iota3A, %add3A_570 : vector<16xi32>
      %gather3A_572 = tpu.vector_load_idx %arg5[%add3A_571] : memref<32768xi32, #tpu.memory_space<vmem>>[vector<16xi32>], vector<16xi32>,
      %lt3A_573 = vector.broadcast %while3A_566 : i32 to vector<16xi32>
      %lt3A_574 = arith.cmpi slt, %lt3A_573, %scan3A_163 : vector<16xi32>
      %shift_right_logical3A = arith.constant 8 : i32
      %shift_right_logical3A_575 = vector.broadcast %shift_right_logical3A : i32 to vector<16xi32>
      %shift_right_logical3A_576 = arith.shrui %gather3A_572, %shift_right_logical3A_575 : vector<16xi32>
      %and3A_577 = arith.constant 4095 : i32
      %and3A_578 = vector.broadcast %and3A_577 : i32 to vector<16xi32>
      %and3A_579 = arith.andi %shift_right_logical3A_576, %and3A_578 : vector<16xi32>
      %lt3A_580 = vector.broadcast %reduce_sum3A_298 : i32 to vector<16xi32>
      %lt3A_581 = arith.cmpi slt, %and3A_579, %lt3A_580 : vector<16xi32>
      %and3A_582 = arith.andi %lt3A_574, %lt3A_581 : vector<16xi1>
      %xor3A_583 = arith.constant -2147483648 : i32
      %xor3A_584 = vector.broadcast %xor3A_583 : i32 to vector<16xi32>
      %xor3A_585 = arith.xori %gather3A_572, %xor3A_584 : vector<16xi32>
      %jit3A = arith.constant -2147483648 : i32
      %broadcast_in_dim3A_586 = vector.broadcast %jit3A : i32 to vector<16xi32>
      %select_n3A_587 = arith.select %and3A_582, %xor3A_585, %broadcast_in_dim3A_586 : vector<16xi1>, vector<16xi32>
      %max3A_588 = arith.maxsi %while3A_567, %select_n3A_587 : vector<16xi32>
      %and3A_589 = arith.constant 255 : i32
      %and3A_590 = vector.broadcast %and3A_589 : i32 to vector<16xi32>
      %and3A_591 = arith.andi %gather3A_572, %and3A_590 : vector<16xi32>
      %eq3A_592 = vector.broadcast %reduce_sum3A_298 : i32 to vector<16xi32>
      %eq3A_593 = arith.cmpi eq, %and3A_579, %eq3A_592 : vector<16xi32>
      %and3A_594 = arith.andi %lt3A_574, %eq3A_593 : vector<16xi1>
      tpu.vector_store_idx %arg6[%and3A_591], %add3A_6 masked %and3A_594 {add = true} : memref<4096xi32, #tpu.memory_space<vmem>>[vector<16xi32>], vector<16xi32>, vector<16xi1>
      scf.yield %max3A_588 : vector<16xi32>
    }
    %sub3A_335 = arith.subi %sub3A_184, %reduce_sum3A_303 : i32
    %mul3A_336 = arith.constant 16 : i32
    %mul3A_337 = vector.broadcast %mul3A_336 : i32 to vector<16xi32>
    %mul3A_338 = arith.muli %iota3A, %mul3A_337 : vector<16xi32>
    %scan3A_339 = arith.constant 0 : i32
    %scan3A_340 = arith.constant 16 : i32
    %scan3A_341 = arith.addi %scan3A_339, %scan3A_340 : i32
    %scan3A_342 = arith.constant 1 : i32
    %scan3A_343 = scf.for %scan3A_566 = %scan3A_339 to %scan3A_341 step %scan3A_342 iter_args(%scan3A_567 = %mul3A_3) -> (vector<16xi32>)  : i32 {
      %add3A_568 = vector.broadcast %scan3A_566 : i32 to vector<16xi32>
      %add3A_569 = arith.addi %mul3A_338, %add3A_568 : vector<16xi32>
      %gather3A_570 = tpu.vector_load_idx %arg6[%add3A_569] : memref<4096xi32, #tpu.memory_space<vmem>>[vector<16xi32>], vector<16xi32>,
      %add3A_571 = arith.addi %scan3A_567, %gather3A_570 : vector<16xi32>
      scf.yield %add3A_571 : vector<16xi32>
    }
    %scan3A_344 = arith.constant 16 : i32
    %rev3A_345 = arith.constant 15 : i32
    %rev3A_346 = vector.broadcast %rev3A_345 : i32 to vector<16xi32>
    %rev3A_347 = tpu.iota {dimensions = array<i32: 0>} : vector<16xi32>
    %rev3A_348 = arith.subi %rev3A_346, %rev3A_347 : vector<16xi32>
    %rev3A_349 = tpu.dynamic_gather %scan3A_343[%rev3A_348] in [0] : vector<16xi32>, vector<16xi32> -> vector<16xi32>
    %broadcast_in_dim3A_350 = arith.constant true
    %broadcast_in_dim3A_351 = vector.broadcast %broadcast_in_dim3A_350 : i1 to vector<16xi1>
    %masked_cumsum3A_352 = tpu.scan <sum>, %rev3A_349 masked %broadcast_in_dim3A_351 : vector<16xi32>, vector<16xi1> -> vector<16xi32>
    %rev3A_353 = arith.constant 15 : i32
    %rev3A_354 = vector.broadcast %rev3A_353 : i32 to vector<16xi32>
    %rev3A_355 = tpu.iota {dimensions = array<i32: 0>} : vector<16xi32>
    %rev3A_356 = arith.subi %rev3A_354, %rev3A_355 : vector<16xi32>
    %rev3A_357 = tpu.dynamic_gather %masked_cumsum3A_352[%rev3A_356] in [0] : vector<16xi32>, vector<16xi32> -> vector<16xi32>
    %sub3A_358 = arith.subi %rev3A_357, %scan3A_343 : vector<16xi32>
    %ge3A_359 = vector.broadcast %sub3A_335 : i32 to vector<16xi32>
    %ge3A_360 = arith.cmpi sge, %rev3A_357, %ge3A_359 : vector<16xi32>
    %lt3A_361 = vector.broadcast %sub3A_335 : i32 to vector<16xi32>
    %lt3A_362 = arith.cmpi slt, %sub3A_358, %lt3A_361 : vector<16xi32>
    %and3A_363 = arith.andi %ge3A_360, %lt3A_362 : vector<16xi1>
    %convert_element_type3A_364 = arith.extui %and3A_363 : vector<16xi1> to vector<16xi32>
    %mul3A_365 = arith.muli %convert_element_type3A_364, %iota3A : vector<16xi32>
    %reduce_sum3A_366 = arith.constant true
    %reduce_sum3A_367 = vector.broadcast %reduce_sum3A_366 : i1 to vector<16xi1>
    %reduce_sum3A_368 = tpu.scan <sum>, %mul3A_365 masked %reduce_sum3A_367 : vector<16xi32>, vector<16xi1> -> vector<16xi32>
    %reduce_sum3A_369 = vector.extract %reduce_sum3A_368[15] : i32 from vector<16xi32>
    %mul3A_370 = arith.muli %convert_element_type3A_364, %sub3A_358 : vector<16xi32>
    %reduce_sum3A_371 = arith.constant true
    %reduce_sum3A_372 = vector.broadcast %reduce_sum3A_371 : i1 to vector<16xi1>
    %reduce_sum3A_373 = tpu.scan <sum>, %mul3A_370 masked %reduce_sum3A_372 : vector<16xi32>, vector<16xi1> -> vector<16xi32>
    %reduce_sum3A_374 = vector.extract %reduce_sum3A_373[15] : i32 from vector<16xi32>
    %mul3A_375 = arith.constant 16 : i32
    %mul3A_376 = arith.muli %reduce_sum3A_369, %mul3A_375 : i32
    %add3A_377 = vector.broadcast %mul3A_376 : i32 to vector<16xi32>
    %add3A_378 = arith.addi %add3A_377, %iota3A : vector<16xi32>
    %gather3A_379 = tpu.vector_load_idx %arg6[%add3A_378] : memref<4096xi32, #tpu.memory_space<vmem>>[vector<16xi32>], vector<16xi32>,
    %rev3A_380 = arith.constant 15 : i32
    %rev3A_381 = vector.broadcast %rev3A_380 : i32 to vector<16xi32>
    %rev3A_382 = tpu.iota {dimensions = array<i32: 0>} : vector<16xi32>
    %rev3A_383 = arith.subi %rev3A_381, %rev3A_382 : vector<16xi32>
    %rev3A_384 = tpu.dynamic_gather %gather3A_379[%rev3A_383] in [0] : vector<16xi32>, vector<16xi32> -> vector<16xi32>
    %broadcast_in_dim3A_385 = arith.constant true
    %broadcast_in_dim3A_386 = vector.broadcast %broadcast_in_dim3A_385 : i1 to vector<16xi1>
    %masked_cumsum3A_387 = tpu.scan <sum>, %rev3A_384 masked %broadcast_in_dim3A_386 : vector<16xi32>, vector<16xi1> -> vector<16xi32>
    %rev3A_388 = arith.constant 15 : i32
    %rev3A_389 = vector.broadcast %rev3A_388 : i32 to vector<16xi32>
    %rev3A_390 = tpu.iota {dimensions = array<i32: 0>} : vector<16xi32>
    %rev3A_391 = arith.subi %rev3A_389, %rev3A_390 : vector<16xi32>
    %rev3A_392 = tpu.dynamic_gather %masked_cumsum3A_387[%rev3A_391] in [0] : vector<16xi32>, vector<16xi32> -> vector<16xi32>
    %add3A_393 = vector.broadcast %reduce_sum3A_374 : i32 to vector<16xi32>
    %add3A_394 = arith.addi %add3A_393, %rev3A_392 : vector<16xi32>
    %sub3A_395 = arith.subi %add3A_394, %gather3A_379 : vector<16xi32>
    %ge3A_396 = vector.broadcast %sub3A_335 : i32 to vector<16xi32>
    %ge3A_397 = arith.cmpi sge, %add3A_394, %ge3A_396 : vector<16xi32>
    %lt3A_398 = vector.broadcast %sub3A_335 : i32 to vector<16xi32>
    %lt3A_399 = arith.cmpi slt, %sub3A_395, %lt3A_398 : vector<16xi32>
    %and3A_400 = arith.andi %ge3A_397, %lt3A_399 : vector<16xi1>
    %convert_element_type3A_401 = arith.extui %and3A_400 : vector<16xi1> to vector<16xi32>
    %mul3A_402 = arith.constant 16 : i32
    %mul3A_403 = arith.muli %reduce_sum3A_369, %mul3A_402 : i32
    %add3A_404 = vector.broadcast %mul3A_403 : i32 to vector<16xi32>
    %add3A_405 = arith.addi %add3A_404, %iota3A : vector<16xi32>
    %mul3A_406 = arith.muli %convert_element_type3A_401, %add3A_405 : vector<16xi32>
    %reduce_sum3A_407 = arith.constant true
    %reduce_sum3A_408 = vector.broadcast %reduce_sum3A_407 : i1 to vector<16xi1>
    %reduce_sum3A_409 = tpu.scan <sum>, %mul3A_406 masked %reduce_sum3A_408 : vector<16xi32>, vector<16xi1> -> vector<16xi32>
    %reduce_sum3A_410 = vector.extract %reduce_sum3A_409[15] : i32 from vector<16xi32>
    %reduce_sum3A_411 = arith.constant true
    %reduce_sum3A_412 = vector.broadcast %reduce_sum3A_411 : i1 to vector<16xi1>
    %reduce_sum3A_413 = tpu.scan <sum>, %convert_element_type3A_401 masked %reduce_sum3A_412 : vector<16xi32>, vector<16xi1> -> vector<16xi32>
    %reduce_sum3A_414 = vector.extract %reduce_sum3A_413[15] : i32 from vector<16xi32>
    %mul3A_415 = arith.muli %convert_element_type3A_401, %sub3A_395 : vector<16xi32>
    %reduce_sum3A_416 = arith.constant true
    %reduce_sum3A_417 = vector.broadcast %reduce_sum3A_416 : i1 to vector<16xi1>
    %reduce_sum3A_418 = tpu.scan <sum>, %mul3A_415 masked %reduce_sum3A_417 : vector<16xi32>, vector<16xi1> -> vector<16xi32>
    %reduce_sum3A_419 = vector.extract %reduce_sum3A_418[15] : i32 from vector<16xi32>
    %add3A_420 = arith.constant 1 : i32
    %add3A_421 = arith.addi %sub3A_335, %add3A_420 : i32
    %mul3A_422 = arith.constant 16 : i32
    %mul3A_423 = vector.broadcast %mul3A_422 : i32 to vector<16xi32>
    %mul3A_424 = arith.muli %iota3A, %mul3A_423 : vector<16xi32>
    %scan3A_425 = arith.constant 0 : i32
    %scan3A_426 = arith.constant 16 : i32
    %scan3A_427 = arith.addi %scan3A_425, %scan3A_426 : i32
    %scan3A_428 = arith.constant 1 : i32
    %scan3A_429 = scf.for %scan3A_566 = %scan3A_425 to %scan3A_427 step %scan3A_428 iter_args(%scan3A_567 = %mul3A_3) -> (vector<16xi32>)  : i32 {
      %add3A_568 = vector.broadcast %scan3A_566 : i32 to vector<16xi32>
      %add3A_569 = arith.addi %mul3A_424, %add3A_568 : vector<16xi32>
      %gather3A_570 = tpu.vector_load_idx %arg6[%add3A_569] : memref<4096xi32, #tpu.memory_space<vmem>>[vector<16xi32>], vector<16xi32>,
      %add3A_571 = arith.addi %scan3A_567, %gather3A_570 : vector<16xi32>
      scf.yield %add3A_571 : vector<16xi32>
    }
    %scan3A_430 = arith.constant 16 : i32
    %rev3A_431 = arith.constant 15 : i32
    %rev3A_432 = vector.broadcast %rev3A_431 : i32 to vector<16xi32>
    %rev3A_433 = tpu.iota {dimensions = array<i32: 0>} : vector<16xi32>
    %rev3A_434 = arith.subi %rev3A_432, %rev3A_433 : vector<16xi32>
    %rev3A_435 = tpu.dynamic_gather %scan3A_429[%rev3A_434] in [0] : vector<16xi32>, vector<16xi32> -> vector<16xi32>
    %broadcast_in_dim3A_436 = arith.constant true
    %broadcast_in_dim3A_437 = vector.broadcast %broadcast_in_dim3A_436 : i1 to vector<16xi1>
    %masked_cumsum3A_438 = tpu.scan <sum>, %rev3A_435 masked %broadcast_in_dim3A_437 : vector<16xi32>, vector<16xi1> -> vector<16xi32>
    %rev3A_439 = arith.constant 15 : i32
    %rev3A_440 = vector.broadcast %rev3A_439 : i32 to vector<16xi32>
    %rev3A_441 = tpu.iota {dimensions = array<i32: 0>} : vector<16xi32>
    %rev3A_442 = arith.subi %rev3A_440, %rev3A_441 : vector<16xi32>
    %rev3A_443 = tpu.dynamic_gather %masked_cumsum3A_438[%rev3A_442] in [0] : vector<16xi32>, vector<16xi32> -> vector<16xi32>
    %sub3A_444 = arith.subi %rev3A_443, %scan3A_429 : vector<16xi32>
    %ge3A_445 = vector.broadcast %add3A_421 : i32 to vector<16xi32>
    %ge3A_446 = arith.cmpi sge, %rev3A_443, %ge3A_445 : vector<16xi32>
    %lt3A_447 = vector.broadcast %add3A_421 : i32 to vector<16xi32>
    %lt3A_448 = arith.cmpi slt, %sub3A_444, %lt3A_447 : vector<16xi32>
    %and3A_449 = arith.andi %ge3A_446, %lt3A_448 : vector<16xi1>
    %convert_element_type3A_450 = arith.extui %and3A_449 : vector<16xi1> to vector<16xi32>
    %mul3A_451 = arith.muli %convert_element_type3A_450, %iota3A : vector<16xi32>
    %reduce_sum3A_452 = arith.constant true
    %reduce_sum3A_453 = vector.broadcast %reduce_sum3A_452 : i1 to vector<16xi1>
    %reduce_sum3A_454 = tpu.scan <sum>, %mul3A_451 masked %reduce_sum3A_453 : vector<16xi32>, vector<16xi1> -> vector<16xi32>
    %reduce_sum3A_455 = vector.extract %reduce_sum3A_454[15] : i32 from vector<16xi32>
    %mul3A_456 = arith.muli %convert_element_type3A_450, %sub3A_444 : vector<16xi32>
    %reduce_sum3A_457 = arith.constant true
    %reduce_sum3A_458 = vector.broadcast %reduce_sum3A_457 : i1 to vector<16xi1>
    %reduce_sum3A_459 = tpu.scan <sum>, %mul3A_456 masked %reduce_sum3A_458 : vector<16xi32>, vector<16xi1> -> vector<16xi32>
    %reduce_sum3A_460 = vector.extract %reduce_sum3A_459[15] : i32 from vector<16xi32>
    %mul3A_461 = arith.constant 16 : i32
    %mul3A_462 = arith.muli %reduce_sum3A_455, %mul3A_461 : i32
    %add3A_463 = vector.broadcast %mul3A_462 : i32 to vector<16xi32>
    %add3A_464 = arith.addi %add3A_463, %iota3A : vector<16xi32>
    %gather3A_465 = tpu.vector_load_idx %arg6[%add3A_464] : memref<4096xi32, #tpu.memory_space<vmem>>[vector<16xi32>], vector<16xi32>,
    %rev3A_466 = arith.constant 15 : i32
    %rev3A_467 = vector.broadcast %rev3A_466 : i32 to vector<16xi32>
    %rev3A_468 = tpu.iota {dimensions = array<i32: 0>} : vector<16xi32>
    %rev3A_469 = arith.subi %rev3A_467, %rev3A_468 : vector<16xi32>
    %rev3A_470 = tpu.dynamic_gather %gather3A_465[%rev3A_469] in [0] : vector<16xi32>, vector<16xi32> -> vector<16xi32>
    %broadcast_in_dim3A_471 = arith.constant true
    %broadcast_in_dim3A_472 = vector.broadcast %broadcast_in_dim3A_471 : i1 to vector<16xi1>
    %masked_cumsum3A_473 = tpu.scan <sum>, %rev3A_470 masked %broadcast_in_dim3A_472 : vector<16xi32>, vector<16xi1> -> vector<16xi32>
    %rev3A_474 = arith.constant 15 : i32
    %rev3A_475 = vector.broadcast %rev3A_474 : i32 to vector<16xi32>
    %rev3A_476 = tpu.iota {dimensions = array<i32: 0>} : vector<16xi32>
    %rev3A_477 = arith.subi %rev3A_475, %rev3A_476 : vector<16xi32>
    %rev3A_478 = tpu.dynamic_gather %masked_cumsum3A_473[%rev3A_477] in [0] : vector<16xi32>, vector<16xi32> -> vector<16xi32>
    %add3A_479 = vector.broadcast %reduce_sum3A_460 : i32 to vector<16xi32>
    %add3A_480 = arith.addi %add3A_479, %rev3A_478 : vector<16xi32>
    %sub3A_481 = arith.subi %add3A_480, %gather3A_465 : vector<16xi32>
    %ge3A_482 = vector.broadcast %add3A_421 : i32 to vector<16xi32>
    %ge3A_483 = arith.cmpi sge, %add3A_480, %ge3A_482 : vector<16xi32>
    %lt3A_484 = vector.broadcast %add3A_421 : i32 to vector<16xi32>
    %lt3A_485 = arith.cmpi slt, %sub3A_481, %lt3A_484 : vector<16xi32>
    %and3A_486 = arith.andi %ge3A_483, %lt3A_485 : vector<16xi1>
    %convert_element_type3A_487 = arith.extui %and3A_486 : vector<16xi1> to vector<16xi32>
    %mul3A_488 = arith.constant 16 : i32
    %mul3A_489 = arith.muli %reduce_sum3A_455, %mul3A_488 : i32
    %add3A_490 = vector.broadcast %mul3A_489 : i32 to vector<16xi32>
    %add3A_491 = arith.addi %add3A_490, %iota3A : vector<16xi32>
    %mul3A_492 = arith.muli %convert_element_type3A_487, %add3A_491 : vector<16xi32>
    %reduce_sum3A_493 = arith.constant true
    %reduce_sum3A_494 = vector.broadcast %reduce_sum3A_493 : i1 to vector<16xi1>
    %reduce_sum3A_495 = tpu.scan <sum>, %mul3A_492 masked %reduce_sum3A_494 : vector<16xi32>, vector<16xi1> -> vector<16xi32>
    %reduce_sum3A_496 = vector.extract %reduce_sum3A_495[15] : i32 from vector<16xi32>
    %reduce_sum3A_497 = arith.constant true
    %reduce_sum3A_498 = vector.broadcast %reduce_sum3A_497 : i1 to vector<16xi1>
    %reduce_sum3A_499 = tpu.scan <sum>, %convert_element_type3A_487 masked %reduce_sum3A_498 : vector<16xi32>, vector<16xi1> -> vector<16xi32>
    %reduce_sum3A_500 = vector.extract %reduce_sum3A_499[15] : i32 from vector<16xi32>
    %mul3A_501 = arith.muli %convert_element_type3A_487, %sub3A_481 : vector<16xi32>
    %reduce_sum3A_502 = arith.constant true
    %reduce_sum3A_503 = vector.broadcast %reduce_sum3A_502 : i1 to vector<16xi1>
    %reduce_sum3A_504 = tpu.scan <sum>, %mul3A_501 masked %reduce_sum3A_503 : vector<16xi32>, vector<16xi1> -> vector<16xi32>
    %reduce_sum3A_505 = vector.extract %reduce_sum3A_504[15] : i32 from vector<16xi32>
    %while3A_506 = arith.constant 0 : i32
    %while3A_507 = arith.constant 0 : i32
    %while3A_508 = arith.subi %reduce_max3A_171, %while3A_506 : i32
    %while3A_509 = arith.addi %while3A_506, %while3A_508 : i32
    %while3A_510 = arith.constant 1 : i32
    %while3A_511 = arith.divsi %while3A_508, %while3A_510 : i32
    %while3A_512 = arith.muli %while3A_511, %while3A_510 : i32
    %while3A_513 = arith.addi %while3A_506, %while3A_512 : i32
    %while3A_514 = arith.constant 1 : i32
    %while3A_515 = scf.for %while3A_566 = %while3A_506 to %while3A_513 step %while3A_514 iter_args(%while3A_567 = %while3A_507) -> (i32)  : i32 {
      %mul3A_568 = arith.constant 16 : i32
      %mul3A_569 = arith.muli %while3A_566, %mul3A_568 : i32
      %add3A_570 = vector.broadcast %mul3A_569 : i32 to vector<16xi32>
      %add3A_571 = arith.addi %iota3A, %add3A_570 : vector<16xi32>
      %gather3A_572 = tpu.vector_load_idx %arg5[%add3A_571] : memref<32768xi32, #tpu.memory_space<vmem>>[vector<16xi32>], vector<16xi32>,
      %lt3A_573 = vector.broadcast %while3A_566 : i32 to vector<16xi32>
      %lt3A_574 = arith.cmpi slt, %lt3A_573, %scan3A_163 : vector<16xi32>
      %shift_right_logical3A = arith.constant 8 : i32
      %shift_right_logical3A_575 = vector.broadcast %shift_right_logical3A : i32 to vector<16xi32>
      %shift_right_logical3A_576 = arith.shrui %gather3A_572, %shift_right_logical3A_575 : vector<16xi32>
      %and3A_577 = arith.constant 4095 : i32
      %and3A_578 = vector.broadcast %and3A_577 : i32 to vector<16xi32>
      %and3A_579 = arith.andi %shift_right_logical3A_576, %and3A_578 : vector<16xi32>
      %and3A_580 = arith.constant 255 : i32
      %and3A_581 = vector.broadcast %and3A_580 : i32 to vector<16xi32>
      %and3A_582 = arith.andi %gather3A_572, %and3A_581 : vector<16xi32>
      %eq3A_583 = vector.broadcast %reduce_sum3A_298 : i32 to vector<16xi32>
      %eq3A_584 = arith.cmpi eq, %and3A_579, %eq3A_583 : vector<16xi32>
      %and3A_585 = arith.andi %lt3A_574, %eq3A_584 : vector<16xi1>
      tpu.vector_store_idx %arg6[%and3A_582], %mul3A_3 masked %and3A_585 : memref<4096xi32, #tpu.memory_space<vmem>>[vector<16xi32>], vector<16xi32>, vector<16xi1>
      %while3A_586 = arith.constant 0 : i32
      scf.yield %while3A_586 : i32
    }
    %while3A_516 = arith.constant 1 : i32
    %while3A_517 = scf.for %while3A_566 = %while3A_513 to %while3A_509 step %while3A_516 iter_args(%while3A_567 = %while3A_515) -> (i32)  : i32 {
      %mul3A_568 = arith.constant 16 : i32
      %mul3A_569 = arith.muli %while3A_566, %mul3A_568 : i32
      %add3A_570 = vector.broadcast %mul3A_569 : i32 to vector<16xi32>
      %add3A_571 = arith.addi %iota3A, %add3A_570 : vector<16xi32>
      %gather3A_572 = tpu.vector_load_idx %arg5[%add3A_571] : memref<32768xi32, #tpu.memory_space<vmem>>[vector<16xi32>], vector<16xi32>,
      %lt3A_573 = vector.broadcast %while3A_566 : i32 to vector<16xi32>
      %lt3A_574 = arith.cmpi slt, %lt3A_573, %scan3A_163 : vector<16xi32>
      %shift_right_logical3A = arith.constant 8 : i32
      %shift_right_logical3A_575 = vector.broadcast %shift_right_logical3A : i32 to vector<16xi32>
      %shift_right_logical3A_576 = arith.shrui %gather3A_572, %shift_right_logical3A_575 : vector<16xi32>
      %and3A_577 = arith.constant 4095 : i32
      %and3A_578 = vector.broadcast %and3A_577 : i32 to vector<16xi32>
      %and3A_579 = arith.andi %shift_right_logical3A_576, %and3A_578 : vector<16xi32>
      %and3A_580 = arith.constant 255 : i32
      %and3A_581 = vector.broadcast %and3A_580 : i32 to vector<16xi32>
      %and3A_582 = arith.andi %gather3A_572, %and3A_581 : vector<16xi32>
      %eq3A_583 = vector.broadcast %reduce_sum3A_298 : i32 to vector<16xi32>
      %eq3A_584 = arith.cmpi eq, %and3A_579, %eq3A_583 : vector<16xi32>
      %and3A_585 = arith.andi %lt3A_574, %eq3A_584 : vector<16xi1>
      tpu.vector_store_idx %arg6[%and3A_582], %mul3A_3 masked %and3A_585 : memref<4096xi32, #tpu.memory_space<vmem>>[vector<16xi32>], vector<16xi32>, vector<16xi1>
      %while3A_586 = arith.constant 0 : i32
      scf.yield %while3A_586 : i32
    }
    %shift_left3A = arith.constant 20 : i32
    %shift_left3A_518 = arith.shli %reduce_sum3A_133, %shift_left3A : i32
    %shift_left3A_519 = arith.constant 8 : i32
    %shift_left3A_520 = arith.shli %reduce_sum3A_298, %shift_left3A_519 : i32
    %or3A = arith.ori %shift_left3A_518, %shift_left3A_520 : i32
    %or3A_521 = arith.ori %or3A, %reduce_sum3A_410 : i32
    %get3A = arith.constant 0 : index
    %get3A_522 = tpu.vector_load %arg7[%get3A] {strides = array<i32>} : memref<16xi32, #tpu.memory_space<vmem>>, vector<16xi32>,
    %reduce_max3A_523 = arith.constant true
    %reduce_max3A_524 = vector.broadcast %reduce_max3A_523 : i1 to vector<16xi1>
    %reduce_max3A_525 = arith.constant -2147483648 : i32
    %reduce_max3A_526 = vector.broadcast %reduce_max3A_525 : i32 to vector<16xi32>
    %reduce_max3A_527 = arith.xori %get3A_522, %reduce_max3A_526 : vector<16xi32>
    %reduce_max3A_528 = tpu.scan <max>, %reduce_max3A_527 masked %reduce_max3A_524 : vector<16xi32>, vector<16xi1> -> vector<16xi32>
    %reduce_max3A_529 = arith.xori %reduce_max3A_528, %reduce_max3A_526 : vector<16xi32>
    %reduce_max3A_530 = vector.extract %reduce_max3A_529[15] : i32 from vector<16xi32>
    %reduce_max3A_531 = arith.constant true
    %reduce_max3A_532 = vector.broadcast %reduce_max3A_531 : i1 to vector<16xi1>
    %reduce_max3A_533 = arith.constant -2147483648 : i32
    %reduce_max3A_534 = vector.broadcast %reduce_max3A_533 : i32 to vector<16xi32>
    %reduce_max3A_535 = arith.xori %while3A_334, %reduce_max3A_534 : vector<16xi32>
    %reduce_max3A_536 = tpu.scan <max>, %reduce_max3A_535 masked %reduce_max3A_532 : vector<16xi32>, vector<16xi1> -> vector<16xi32>
    %reduce_max3A_537 = arith.xori %reduce_max3A_536, %reduce_max3A_534 : vector<16xi32>
    %reduce_max3A_538 = vector.extract %reduce_max3A_537[15] : i32 from vector<16xi32>
    %max3A = arith.maxsi %reduce_max3A_530, %reduce_max3A_538 : i32
    %gt3A = arith.constant 0 : i32
    %gt3A_539 = arith.cmpi sgt, %reduce_sum3A_500, %gt3A : i32
    %or3A_540 = arith.ori %or3A, %reduce_sum3A_496 : i32
    %xor3A = arith.constant -2147483648 : i32
    %xor3A_541 = arith.xori %max3A, %xor3A : i32
    %select_n3A = arith.select %gt3A_539, %or3A_540, %xor3A_541 : i32
    %shift_right_arithmetic3A = arith.constant 31 : i32
    %shift_right_arithmetic3A_542 = arith.shrsi %or3A_521, %shift_right_arithmetic3A : i32
    %xor3A_543 = arith.constant -1 : i32
    %xor3A_544 = arith.xori %shift_right_arithmetic3A_542, %xor3A_543 : i32
    %or3A_545 = arith.constant -2147483648 : i32
    %or3A_546 = arith.ori %xor3A_544, %or3A_545 : i32
    %xor3A_547 = arith.xori %or3A_521, %or3A_546 : i32
    %bitcast_convert_type3A = arith.bitcast %xor3A_547 : i32 to f32
    %shift_right_arithmetic3A_548 = arith.constant 31 : i32
    %shift_right_arithmetic3A_549 = arith.shrsi %select_n3A, %shift_right_arithmetic3A_548 : i32
    %xor3A_550 = arith.constant -1 : i32
    %xor3A_551 = arith.xori %shift_right_arithmetic3A_549, %xor3A_550 : i32
    %or3A_552 = arith.constant -2147483648 : i32
    %or3A_553 = arith.ori %xor3A_551, %or3A_552 : i32
    %xor3A_554 = arith.xori %select_n3A, %or3A_553 : i32
    %bitcast_convert_type3A_555 = arith.bitcast %xor3A_554 : i32 to f32
    %add3A_556 = arith.addf %bitcast_convert_type3A, %bitcast_convert_type3A_555 : f32
    %mul3A_557 = arith.constant 5.000000e-01 : f32
    %mul3A_558 = arith.mulf %add3A_556, %mul3A_557 : f32
    %scan3A_559 = arith.constant 0 : i32
    %scan3A_560 = arith.constant 0 : i32
    %scan3A_561 = arith.constant 256 : i32
    %scan3A_562 = arith.addi %scan3A_560, %scan3A_561 : i32
    %scan3A_563 = arith.constant 1 : i32
    %scan3A_564 = scf.for %scan3A_566 = %scan3A_560 to %scan3A_562 step %scan3A_563 iter_args(%scan3A_567 = %scan3A_559) -> (i32)  : i32 {
      %mul3A_568 = arith.constant 128 : i32
      %mul3A_569 = arith.muli %scan3A_566, %mul3A_568 : i32
      %add3A_570 = arith.constant 0 : i32
      %add3A_571 = arith.addi %mul3A_569, %add3A_570 : i32
      %get3A_572 = arith.index_cast %add3A_571 : i32 to index
      %get3A_573 = tpu.vector_load %arg4[%get3A_572] {strides = array<i32>} : memref<32768xf32, #tpu.memory_space<vmem>>, vector<16xf32>,
      %gt3A_574 = vector.broadcast %mul3A_558 : f32 to vector<16xf32>
      %gt3A_575 = arith.cmpf ogt, %get3A_573, %gt3A_574 : vector<16xf32>
      %jit3A = arith.constant 1.000000e+00 : f32
      %jit3A_576 = arith.constant 0.000000e+00 : f32
      %broadcast_in_dim3A_577 = vector.broadcast %jit3A : f32 to vector<16xf32>
      %broadcast_in_dim3A_578 = vector.broadcast %jit3A_576 : f32 to vector<16xf32>
      %select_n3A_579 = arith.select %gt3A_575, %broadcast_in_dim3A_577, %broadcast_in_dim3A_578 : vector<16xi1>, vector<16xf32>
      %swap3A_580 = arith.index_cast %add3A_571 : i32 to index
      %swap3A_581 = tpu.vector_load %arg4[%swap3A_580] {strides = array<i32>} : memref<32768xf32, #tpu.memory_space<vmem>>, vector<16xf32>,
      tpu.vector_store %arg4[%swap3A_580], %select_n3A_579 {strides = array<i32>} : memref<32768xf32, #tpu.memory_space<vmem>>, vector<16xf32>,
      %mul3A_582 = arith.constant 128 : i32
      %mul3A_583 = arith.muli %scan3A_566, %mul3A_582 : i32
      %add3A_584 = arith.constant 16 : i32
      %add3A_585 = arith.addi %mul3A_583, %add3A_584 : i32
      %get3A_586 = arith.index_cast %add3A_585 : i32 to index
      %get3A_587 = tpu.vector_load %arg4[%get3A_586] {strides = array<i32>} : memref<32768xf32, #tpu.memory_space<vmem>>, vector<16xf32>,
      %gt3A_588 = vector.broadcast %mul3A_558 : f32 to vector<16xf32>
      %gt3A_589 = arith.cmpf ogt, %get3A_587, %gt3A_588 : vector<16xf32>
      %jit3A_590 = arith.constant 1.000000e+00 : f32
      %jit3A_591 = arith.constant 0.000000e+00 : f32
      %broadcast_in_dim3A_592 = vector.broadcast %jit3A_590 : f32 to vector<16xf32>
      %broadcast_in_dim3A_593 = vector.broadcast %jit3A_591 : f32 to vector<16xf32>
      %select_n3A_594 = arith.select %gt3A_589, %broadcast_in_dim3A_592, %broadcast_in_dim3A_593 : vector<16xi1>, vector<16xf32>
      %swap3A_595 = arith.index_cast %add3A_585 : i32 to index
      %swap3A_596 = tpu.vector_load %arg4[%swap3A_595] {strides = array<i32>} : memref<32768xf32, #tpu.memory_space<vmem>>, vector<16xf32>,
      tpu.vector_store %arg4[%swap3A_595], %select_n3A_594 {strides = array<i32>} : memref<32768xf32, #tpu.memory_space<vmem>>, vector<16xf32>,
      %mul3A_597 = arith.constant 128 : i32
      %mul3A_598 = arith.muli %scan3A_566, %mul3A_597 : i32
      %add3A_599 = arith.constant 32 : i32
      %add3A_600 = arith.addi %mul3A_598, %add3A_599 : i32
      %get3A_601 = arith.index_cast %add3A_600 : i32 to index
      %get3A_602 = tpu.vector_load %arg4[%get3A_601] {strides = array<i32>} : memref<32768xf32, #tpu.memory_space<vmem>>, vector<16xf32>,
      %gt3A_603 = vector.broadcast %mul3A_558 : f32 to vector<16xf32>
      %gt3A_604 = arith.cmpf ogt, %get3A_602, %gt3A_603 : vector<16xf32>
      %jit3A_605 = arith.constant 1.000000e+00 : f32
      %jit3A_606 = arith.constant 0.000000e+00 : f32
      %broadcast_in_dim3A_607 = vector.broadcast %jit3A_605 : f32 to vector<16xf32>
      %broadcast_in_dim3A_608 = vector.broadcast %jit3A_606 : f32 to vector<16xf32>
      %select_n3A_609 = arith.select %gt3A_604, %broadcast_in_dim3A_607, %broadcast_in_dim3A_608 : vector<16xi1>, vector<16xf32>
      %swap3A_610 = arith.index_cast %add3A_600 : i32 to index
      %swap3A_611 = tpu.vector_load %arg4[%swap3A_610] {strides = array<i32>} : memref<32768xf32, #tpu.memory_space<vmem>>, vector<16xf32>,
      tpu.vector_store %arg4[%swap3A_610], %select_n3A_609 {strides = array<i32>} : memref<32768xf32, #tpu.memory_space<vmem>>, vector<16xf32>,
      %mul3A_612 = arith.constant 128 : i32
      %mul3A_613 = arith.muli %scan3A_566, %mul3A_612 : i32
      %add3A_614 = arith.constant 48 : i32
      %add3A_615 = arith.addi %mul3A_613, %add3A_614 : i32
      %get3A_616 = arith.index_cast %add3A_615 : i32 to index
      %get3A_617 = tpu.vector_load %arg4[%get3A_616] {strides = array<i32>} : memref<32768xf32, #tpu.memory_space<vmem>>, vector<16xf32>,
      %gt3A_618 = vector.broadcast %mul3A_558 : f32 to vector<16xf32>
      %gt3A_619 = arith.cmpf ogt, %get3A_617, %gt3A_618 : vector<16xf32>
      %jit3A_620 = arith.constant 1.000000e+00 : f32
      %jit3A_621 = arith.constant 0.000000e+00 : f32
      %broadcast_in_dim3A_622 = vector.broadcast %jit3A_620 : f32 to vector<16xf32>
      %broadcast_in_dim3A_623 = vector.broadcast %jit3A_621 : f32 to vector<16xf32>
      %select_n3A_624 = arith.select %gt3A_619, %broadcast_in_dim3A_622, %broadcast_in_dim3A_623 : vector<16xi1>, vector<16xf32>
      %swap3A_625 = arith.index_cast %add3A_615 : i32 to index
      %swap3A_626 = tpu.vector_load %arg4[%swap3A_625] {strides = array<i32>} : memref<32768xf32, #tpu.memory_space<vmem>>, vector<16xf32>,
      tpu.vector_store %arg4[%swap3A_625], %select_n3A_624 {strides = array<i32>} : memref<32768xf32, #tpu.memory_space<vmem>>, vector<16xf32>,
      %mul3A_627 = arith.constant 128 : i32
      %mul3A_628 = arith.muli %scan3A_566, %mul3A_627 : i32
      %add3A_629 = arith.constant 64 : i32
      %add3A_630 = arith.addi %mul3A_628, %add3A_629 : i32
      %get3A_631 = arith.index_cast %add3A_630 : i32 to index
      %get3A_632 = tpu.vector_load %arg4[%get3A_631] {strides = array<i32>} : memref<32768xf32, #tpu.memory_space<vmem>>, vector<16xf32>,
      %gt3A_633 = vector.broadcast %mul3A_558 : f32 to vector<16xf32>
      %gt3A_634 = arith.cmpf ogt, %get3A_632, %gt3A_633 : vector<16xf32>
      %jit3A_635 = arith.constant 1.000000e+00 : f32
      %jit3A_636 = arith.constant 0.000000e+00 : f32
      %broadcast_in_dim3A_637 = vector.broadcast %jit3A_635 : f32 to vector<16xf32>
      %broadcast_in_dim3A_638 = vector.broadcast %jit3A_636 : f32 to vector<16xf32>
      %select_n3A_639 = arith.select %gt3A_634, %broadcast_in_dim3A_637, %broadcast_in_dim3A_638 : vector<16xi1>, vector<16xf32>
      %swap3A_640 = arith.index_cast %add3A_630 : i32 to index
      %swap3A_641 = tpu.vector_load %arg4[%swap3A_640] {strides = array<i32>} : memref<32768xf32, #tpu.memory_space<vmem>>, vector<16xf32>,
      tpu.vector_store %arg4[%swap3A_640], %select_n3A_639 {strides = array<i32>} : memref<32768xf32, #tpu.memory_space<vmem>>, vector<16xf32>,
      %mul3A_642 = arith.constant 128 : i32
      %mul3A_643 = arith.muli %scan3A_566, %mul3A_642 : i32
      %add3A_644 = arith.constant 80 : i32
      %add3A_645 = arith.addi %mul3A_643, %add3A_644 : i32
      %get3A_646 = arith.index_cast %add3A_645 : i32 to index
      %get3A_647 = tpu.vector_load %arg4[%get3A_646] {strides = array<i32>} : memref<32768xf32, #tpu.memory_space<vmem>>, vector<16xf32>,
      %gt3A_648 = vector.broadcast %mul3A_558 : f32 to vector<16xf32>
      %gt3A_649 = arith.cmpf ogt, %get3A_647, %gt3A_648 : vector<16xf32>
      %jit3A_650 = arith.constant 1.000000e+00 : f32
      %jit3A_651 = arith.constant 0.000000e+00 : f32
      %broadcast_in_dim3A_652 = vector.broadcast %jit3A_650 : f32 to vector<16xf32>
      %broadcast_in_dim3A_653 = vector.broadcast %jit3A_651 : f32 to vector<16xf32>
      %select_n3A_654 = arith.select %gt3A_649, %broadcast_in_dim3A_652, %broadcast_in_dim3A_653 : vector<16xi1>, vector<16xf32>
      %swap3A_655 = arith.index_cast %add3A_645 : i32 to index
      %swap3A_656 = tpu.vector_load %arg4[%swap3A_655] {strides = array<i32>} : memref<32768xf32, #tpu.memory_space<vmem>>, vector<16xf32>,
      tpu.vector_store %arg4[%swap3A_655], %select_n3A_654 {strides = array<i32>} : memref<32768xf32, #tpu.memory_space<vmem>>, vector<16xf32>,
      %mul3A_657 = arith.constant 128 : i32
      %mul3A_658 = arith.muli %scan3A_566, %mul3A_657 : i32
      %add3A_659 = arith.constant 96 : i32
      %add3A_660 = arith.addi %mul3A_658, %add3A_659 : i32
      %get3A_661 = arith.index_cast %add3A_660 : i32 to index
      %get3A_662 = tpu.vector_load %arg4[%get3A_661] {strides = array<i32>} : memref<32768xf32, #tpu.memory_space<vmem>>, vector<16xf32>,
      %gt3A_663 = vector.broadcast %mul3A_558 : f32 to vector<16xf32>
      %gt3A_664 = arith.cmpf ogt, %get3A_662, %gt3A_663 : vector<16xf32>
      %jit3A_665 = arith.constant 1.000000e+00 : f32
      %jit3A_666 = arith.constant 0.000000e+00 : f32
      %broadcast_in_dim3A_667 = vector.broadcast %jit3A_665 : f32 to vector<16xf32>
      %broadcast_in_dim3A_668 = vector.broadcast %jit3A_666 : f32 to vector<16xf32>
      %select_n3A_669 = arith.select %gt3A_664, %broadcast_in_dim3A_667, %broadcast_in_dim3A_668 : vector<16xi1>, vector<16xf32>
      %swap3A_670 = arith.index_cast %add3A_660 : i32 to index
      %swap3A_671 = tpu.vector_load %arg4[%swap3A_670] {strides = array<i32>} : memref<32768xf32, #tpu.memory_space<vmem>>, vector<16xf32>,
      tpu.vector_store %arg4[%swap3A_670], %select_n3A_669 {strides = array<i32>} : memref<32768xf32, #tpu.memory_space<vmem>>, vector<16xf32>,
      %mul3A_672 = arith.constant 128 : i32
      %mul3A_673 = arith.muli %scan3A_566, %mul3A_672 : i32
      %add3A_674 = arith.constant 112 : i32
      %add3A_675 = arith.addi %mul3A_673, %add3A_674 : i32
      %get3A_676 = arith.index_cast %add3A_675 : i32 to index
      %get3A_677 = tpu.vector_load %arg4[%get3A_676] {strides = array<i32>} : memref<32768xf32, #tpu.memory_space<vmem>>, vector<16xf32>,
      %gt3A_678 = vector.broadcast %mul3A_558 : f32 to vector<16xf32>
      %gt3A_679 = arith.cmpf ogt, %get3A_677, %gt3A_678 : vector<16xf32>
      %jit3A_680 = arith.constant 1.000000e+00 : f32
      %jit3A_681 = arith.constant 0.000000e+00 : f32
      %broadcast_in_dim3A_682 = vector.broadcast %jit3A_680 : f32 to vector<16xf32>
      %broadcast_in_dim3A_683 = vector.broadcast %jit3A_681 : f32 to vector<16xf32>
      %select_n3A_684 = arith.select %gt3A_679, %broadcast_in_dim3A_682, %broadcast_in_dim3A_683 : vector<16xi1>, vector<16xf32>
      %swap3A_685 = arith.index_cast %add3A_675 : i32 to index
      %swap3A_686 = tpu.vector_load %arg4[%swap3A_685] {strides = array<i32>} : memref<32768xf32, #tpu.memory_space<vmem>>, vector<16xf32>,
      tpu.vector_store %arg4[%swap3A_685], %select_n3A_684 {strides = array<i32>} : memref<32768xf32, #tpu.memory_space<vmem>>, vector<16xf32>,
      %scan3A_687 = arith.constant 0 : i32
      scf.yield %scan3A_687 : i32
    }
    %scan3A_565 = arith.constant 256 : i32
    "tpu.region"() ({
      %run_scoped3A = tpu.sem_alloc : memref<!tpu.dma_semaphore, #tpu.memory_space<semaphore_mem>>
      %dma_start3A = arith.constant 0 : i32
      %dma_start3A_566 = tpu.memref_slice %arg3[%add3A_16, %dma_start3A] : memref<32x32768xf32, #tpu.memory_space<hbm>> -> memref<1x32768xf32, #tpu.memory_space<hbm>>
      %dma_start3A_567 = tpu.memref_squeeze %dma_start3A_566 : memref<1x32768xf32, #tpu.memory_space<hbm>> -> memref<32768xf32, #tpu.memory_space<hbm>>
      %dma_start3A_568 = arith.constant 0 : i32
      %dma_start3A_569 = tpu.memref_slice %arg3[%add3A_16, %dma_start3A_568] : memref<32x32768xf32, #tpu.memory_space<hbm>> -> memref<1x32768xf32, #tpu.memory_space<hbm>>
      %dma_start3A_570 = tpu.memref_squeeze %dma_start3A_569 : memref<1x32768xf32, #tpu.memory_space<hbm>> -> memref<32768xf32, #tpu.memory_space<hbm>>
      tpu.enqueue_dma source(%arg4 : memref<32768xf32, #tpu.memory_space<vmem>>) target(%dma_start3A_570 : memref<32768xf32, #tpu.memory_space<hbm>>) target_semaphore(%run_scoped3A : memref<!tpu.dma_semaphore, #tpu.memory_space<semaphore_mem>>)
      %dma_wait3A = arith.constant 0 : i32
      %dma_wait3A_571 = tpu.memref_slice %arg3[%add3A_16, %dma_wait3A] : memref<32x32768xf32, #tpu.memory_space<hbm>> -> memref<1x32768xf32, #tpu.memory_space<hbm>>
      %dma_wait3A_572 = tpu.memref_squeeze %dma_wait3A_571 : memref<1x32768xf32, #tpu.memory_space<hbm>> -> memref<32768xf32, #tpu.memory_space<hbm>>
      %dma_wait3A_573 = arith.constant 0 : i32
      %dma_wait3A_574 = tpu.memref_slice %arg3[%add3A_16, %dma_wait3A_573] : memref<32x32768xf32, #tpu.memory_space<hbm>> -> memref<1x32768xf32, #tpu.memory_space<hbm>>
      %dma_wait3A_575 = tpu.memref_squeeze %dma_wait3A_574 : memref<1x32768xf32, #tpu.memory_space<hbm>> -> memref<32768xf32, #tpu.memory_space<hbm>>
      tpu.wait_dma2 semaphore(%run_scoped3A : memref<!tpu.dma_semaphore, #tpu.memory_space<semaphore_mem>>) src(%arg4 : memref<32768xf32, #tpu.memory_space<vmem>>) dst(%dma_wait3A_575 : memref<32768xf32, #tpu.memory_space<hbm>>)
      tpu.yield
    }) : () -> ()
    return
  }
}

module attributes {stable_mosaic.version = 14 : i64} {
  func.func @_lambda_(%arg0: i32, %arg1: memref<8x32768xf32, #tpu.memory_space<vmem>>, %arg2: memref<8x32768xf32, #tpu.memory_space<vmem>>) attributes {dimension_semantics = [#tpu.dimension_semantics<arbitrary>], iteration_bounds = array<i64: 12>, scalar_prefetch = 0 : i64, scratch_operands = 0 : i64, tpu.core_type = #tpu.core_type<tc>, window_params = [{transform_indices = @transform_0, window_bounds = array<i64: 8, 32768>}, {transform_indices = @transform_1, window_bounds = array<i64: 8, 32768>}]} {
    %get3A = arith.constant 0 : index
    %get3A_0 = arith.constant 0 : index
    %get3A_1 = vector.load %arg1[%get3A, %get3A_0] : memref<8x32768xf32, #tpu.memory_space<vmem>>, vector<8x32768xf32>
    %bitcast_convert_type3A = tpu.bitcast %get3A_1 : vector<8x32768xf32> -> vector<8x32768xi32>
    %shift_right_arithmetic3A = arith.constant 31 : i32
    %shift_right_arithmetic3A_2 = vector.broadcast %shift_right_arithmetic3A : i32 to vector<8x32768xi32>
    %shift_right_arithmetic3A_3 = arith.shrsi %bitcast_convert_type3A, %shift_right_arithmetic3A_2 : vector<8x32768xi32>
    %or3A = arith.constant -2147483648 : i32
    %or3A_4 = vector.broadcast %or3A : i32 to vector<8x32768xi32>
    %or3A_5 = arith.ori %shift_right_arithmetic3A_3, %or3A_4 : vector<8x32768xi32>
    %xor3A = arith.xori %bitcast_convert_type3A, %or3A_5 : vector<8x32768xi32>
    %bitcast_convert_type3A_6 = tpu.bitcast %xor3A : vector<8x32768xi32> -> vector<8x32768xi32>
    %broadcast_in_dim3A = arith.constant 0 : i32
    %broadcast_in_dim3A_7 = vector.broadcast %broadcast_in_dim3A : i32 to vector<8x1xi32>
    %scan3A = arith.constant 0 : i32
    %scan3A_8 = arith.constant 32 : i32
    %scan3A_9 = arith.addi %scan3A, %scan3A_8 : i32
    %scan3A_10 = arith.constant 1 : i32
    %scan3A_11 = scf.for %scan3A_64 = %scan3A to %scan3A_9 step %scan3A_10 iter_args(%scan3A_65 = %broadcast_in_dim3A_7) -> (vector<8x1xi32>)  : i32 {
      %sub3A = arith.constant 31 : i32
      %sub3A_66 = arith.subi %sub3A, %scan3A_64 : i32
      %shift_left3A = arith.constant 1 : i32
      %shift_left3A_67 = arith.shli %shift_left3A, %sub3A_66 : i32
      %or3A_68 = vector.broadcast %shift_left3A_67 : i32 to vector<8x1xi32>
      %or3A_69 = arith.ori %scan3A_65, %or3A_68 : vector<8x1xi32>
      %ge3A_70 = vector.broadcast %or3A_69 : vector<8x1xi32> to vector<8x32768xi32>
      %ge3A_71 = arith.cmpi uge, %bitcast_convert_type3A_6, %ge3A_70 : vector<8x32768xi32>
      %convert_element_type3A_72 = arith.extui %ge3A_71 : vector<8x32768xi1> to vector<8x32768xi32>
      %reduce_sum3A_73 = arith.constant dense<0> : vector<8xi32>
      %reduce_sum3A_74 = vector.multi_reduction <add>, %convert_element_type3A_72, %reduce_sum3A_73 [1] : vector<8x32768xi32> to vector<8xi32>
      %broadcast_in_dim3A_75 = vector.shape_cast %reduce_sum3A_74 : vector<8xi32> to vector<8x1xi32>
      %ge3A_76 = arith.constant 1639 : i32
      %ge3A_77 = vector.broadcast %ge3A_76 : i32 to vector<8x1xi32>
      %ge3A_78 = arith.cmpi sge, %broadcast_in_dim3A_75, %ge3A_77 : vector<8x1xi32>
      %select_n3A_79 = arith.select %ge3A_78, %or3A_69, %scan3A_65 : vector<8x1xi1>, vector<8x1xi32>
      scf.yield %select_n3A_79 : vector<8x1xi32>
    }
    %scan3A_12 = arith.constant 32 : i32
    %bitcast_convert_type3A_13 = tpu.bitcast %bitcast_convert_type3A_6 : vector<8x32768xi32> -> vector<8x32768xi32>
    %xor3A_14 = arith.constant -2147483648 : i32
    %xor3A_15 = vector.broadcast %xor3A_14 : i32 to vector<8x32768xi32>
    %xor3A_16 = arith.xori %bitcast_convert_type3A_13, %xor3A_15 : vector<8x32768xi32>
    %bitcast_convert_type3A_17 = tpu.bitcast %scan3A_11 : vector<8x1xi32> -> vector<8x1xi32>
    %xor3A_18 = arith.constant -2147483648 : i32
    %xor3A_19 = vector.broadcast %xor3A_18 : i32 to vector<8x1xi32>
    %xor3A_20 = arith.xori %bitcast_convert_type3A_17, %xor3A_19 : vector<8x1xi32>
    %ge3A = vector.broadcast %xor3A_20 : vector<8x1xi32> to vector<8x32768xi32>
    %ge3A_21 = arith.cmpi sge, %xor3A_16, %ge3A : vector<8x32768xi32>
    %convert_element_type3A = arith.extui %ge3A_21 : vector<8x32768xi1> to vector<8x32768xi32>
    %reduce_sum3A = arith.constant dense<0> : vector<8xi32>
    %reduce_sum3A_22 = vector.multi_reduction <add>, %convert_element_type3A, %reduce_sum3A [1] : vector<8x32768xi32> to vector<8xi32>
    %broadcast_in_dim3A_23 = vector.shape_cast %reduce_sum3A_22 : vector<8xi32> to vector<8x1xi32>
    %lt3A = vector.broadcast %xor3A_20 : vector<8x1xi32> to vector<8x32768xi32>
    %lt3A_24 = arith.cmpi slt, %xor3A_16, %lt3A : vector<8x32768xi32>
    %jit3A = arith.constant -2147483648 : i32
    %broadcast_in_dim3A_25 = vector.broadcast %jit3A : i32 to vector<8x32768xi32>
    %select_n3A = arith.select %lt3A_24, %xor3A_16, %broadcast_in_dim3A_25 : vector<8x32768xi1>, vector<8x32768xi32>
    %reduce_max3A = arith.constant dense<-2147483648> : vector<8xi32>
    %reduce_max3A_26 = vector.multi_reduction <maxsi>, %select_n3A, %reduce_max3A [1] : vector<8x32768xi32> to vector<8xi32>
    %broadcast_in_dim3A_27 = vector.shape_cast %reduce_max3A_26 : vector<8xi32> to vector<8x1xi32>
    %xor3A_28 = arith.constant -2147483648 : i32
    %xor3A_29 = vector.broadcast %xor3A_28 : i32 to vector<8x1xi32>
    %xor3A_30 = arith.xori %broadcast_in_dim3A_27, %xor3A_29 : vector<8x1xi32>
    %bitcast_convert_type3A_31 = tpu.bitcast %xor3A_30 : vector<8x1xi32> -> vector<8x1xi32>
    %ge3A_32 = arith.constant 1640 : i32
    %ge3A_33 = vector.broadcast %ge3A_32 : i32 to vector<8x1xi32>
    %ge3A_34 = arith.cmpi sge, %broadcast_in_dim3A_23, %ge3A_33 : vector<8x1xi32>
    %select_n3A_35 = arith.select %ge3A_34, %scan3A_11, %bitcast_convert_type3A_31 : vector<8x1xi1>, vector<8x1xi32>
    %bitcast_convert_type3A_36 = tpu.bitcast %scan3A_11 : vector<8x1xi32> -> vector<8x1xi32>
    %shift_right_arithmetic3A_37 = arith.constant 31 : i32
    %shift_right_arithmetic3A_38 = vector.broadcast %shift_right_arithmetic3A_37 : i32 to vector<8x1xi32>
    %shift_right_arithmetic3A_39 = arith.shrsi %bitcast_convert_type3A_36, %shift_right_arithmetic3A_38 : vector<8x1xi32>
    %not3A = arith.constant dense<-1> : vector<8x1xi32>
    %not3A_40 = arith.xori %shift_right_arithmetic3A_39, %not3A : vector<8x1xi32>
    %or3A_41 = arith.constant -2147483648 : i32
    %or3A_42 = vector.broadcast %or3A_41 : i32 to vector<8x1xi32>
    %or3A_43 = arith.ori %not3A_40, %or3A_42 : vector<8x1xi32>
    %xor3A_44 = arith.xori %bitcast_convert_type3A_36, %or3A_43 : vector<8x1xi32>
    %bitcast_convert_type3A_45 = tpu.bitcast %xor3A_44 : vector<8x1xi32> -> vector<8x1xf32>
    %bitcast_convert_type3A_46 = tpu.bitcast %select_n3A_35 : vector<8x1xi32> -> vector<8x1xi32>
    %shift_right_arithmetic3A_47 = arith.constant 31 : i32
    %shift_right_arithmetic3A_48 = vector.broadcast %shift_right_arithmetic3A_47 : i32 to vector<8x1xi32>
    %shift_right_arithmetic3A_49 = arith.shrsi %bitcast_convert_type3A_46, %shift_right_arithmetic3A_48 : vector<8x1xi32>
    %not3A_50 = arith.constant dense<-1> : vector<8x1xi32>
    %not3A_51 = arith.xori %shift_right_arithmetic3A_49, %not3A_50 : vector<8x1xi32>
    %or3A_52 = arith.constant -2147483648 : i32
    %or3A_53 = vector.broadcast %or3A_52 : i32 to vector<8x1xi32>
    %or3A_54 = arith.ori %not3A_51, %or3A_53 : vector<8x1xi32>
    %xor3A_55 = arith.xori %bitcast_convert_type3A_46, %or3A_54 : vector<8x1xi32>
    %bitcast_convert_type3A_56 = tpu.bitcast %xor3A_55 : vector<8x1xi32> -> vector<8x1xf32>
    %add3A = arith.addf %bitcast_convert_type3A_45, %bitcast_convert_type3A_56 : vector<8x1xf32>
    %mul3A = arith.constant 5.000000e-01 : f32
    %mul3A_57 = vector.broadcast %mul3A : f32 to vector<8x1xf32>
    %mul3A_58 = arith.mulf %add3A, %mul3A_57 : vector<8x1xf32>
    %gt3A = vector.broadcast %mul3A_58 : vector<8x1xf32> to vector<8x32768xf32>
    %gt3A_59 = arith.cmpf ogt, %get3A_1, %gt3A : vector<8x32768xf32>
    %convert_element_type3A_60 = arith.extui %gt3A_59 : vector<8x32768xi1> to vector<8x32768xi32>
    %convert_element_type3A_61 = arith.sitofp %convert_element_type3A_60 : vector<8x32768xi32> to vector<8x32768xf32>
    %swap3A = arith.constant 0 : index
    %swap3A_62 = arith.constant 0 : index
    %swap3A_63 = vector.load %arg2[%swap3A, %swap3A_62] : memref<8x32768xf32, #tpu.memory_space<vmem>>, vector<8x32768xf32>
    tpu.vector_store %arg2[%swap3A, %swap3A_62], %convert_element_type3A_61 {strides = array<i32>} : memref<8x32768xf32, #tpu.memory_space<vmem>>, vector<8x32768xf32>,
    return
  }
  func.func @transform_0(%arg0: i32) -> (i32, i32) {
    %add3A = arith.constant 4 : i32
    %add3A_0 = arith.addi %arg0, %add3A : i32
    %c0_i32 = arith.constant 0 : i32
    %c0_i32_1 = arith.constant 0 : i32
    return %add3A_0, %c0_i32 : i32, i32
  }
  func.func @transform_1(%arg0: i32) -> (i32, i32) {
    %c0_i32 = arith.constant 0 : i32
    %c0_i32_0 = arith.constant 0 : i32
    return %arg0, %c0_i32 : i32, i32
  }
}

</mosaic_0001>

<sc_bundles>
// kernel: kernel.4.cloned.1.call-start
scs
__scs_entry_jumppad:
0x0: {  	(pc) =	sbr.rel $0x88, $3  }
0x1: {  	(tag) =	ssettag $0x0;
	lr =	simm.s32 $0x1  }
0x2: {  	[smem:$0x3FA0] =	sst lr;
	_ =	strace $0xD0000000  }
0x3: {  	_ = 	snop  }
0x4: {  	_ = 	snop  }
0x5: {  	_ = 	snop  }
0x6: {  	_ = 	snop  }
0x7: {  	_ = 	snop  }
__scs_overlays_trampoline_lowered:
0x8: {  	[smem:$0x3FAF] =	sst s0  }
0x9: {  	[smem:$0x3FB0] =	sst s1  }
0xa: {  	[smem:$0x3FB1] =	sst s2  }
0xb: {  	[smem:$0x3FB2] =	sst s3  }
0xc: {  	[smem:$0x3FB3] =	sst s4  }
0xd: {  	[smem:$0x3FB4] =	sst s5  }
0xe: {  	[smem:$0x3FB5] =	sst s6  }
0xf: {  	[smem:$0x3FB6] =	sst s7  }
0x10: {  	[smem:$0x3FB7] =	sst s8  }
0x11: {  	[smem:$0x3FB8] =	sst s9;
	s0 =	simm.s32 @!p0 $0x0  }
0x12: {  	s1 =	sld [smem:$0x3F9E];
	s0 =	simm.s32 @p0 $0x1  }
0x13: {  	[smem:$0x3FB9] =	sst s0;
	s0 =	simm.s32 @!p1 $0x0  }
0x14: {  	s2 =	sld [smem:$0x3F9D];
	s0 =	simm.s32 @p1 $0x1  }
0x15: {  	[smem:$0x3FBA] =	sst s0;
	s0 =	simm.s32 @!p2 $0x0  }
0x16: {  	s3 =	sld [smem:$0x3FDB];
	s0 =	simm.s32 @p2 $0x1  }
0x17: {  	s4 =	simm.s32 $0x1BF5;
	[smem:$0x3FBC] =	sst s0  }
0x18: {  	s0 =	sld [smem:$0x3F9F];
	_ =	swait.ge [sflag:s4], $0x0  }
0x19: {  	s7 =	sld [smem:$0x3FA0]  }
0x1a: {  	s8 =	sadd.s32 $0xFFFFE003, lr  }
0x1b: {  	s9 =	sadd.s32 $0xFFFFFEF7, lr;
	s5 =	simm.s32 $0xFFFFFFFF;
	p2 =	slt.u32 s8, $0xFFFFF086  }
0x1c: {  	p1 =	slt.u32 s9, $0xF7A;
	s5 =	simm.s32 @!p2 $0x0  }
0x1d: {  	s5 =	simm.s32 @p1 $0x1;
	p0 =	seq.s32 s7, s2  }
0x1e: {  	s7 =	smul.u32 @!p0 $0xF7A, s2;
	p2 =	seq.s32 @!p0 s5, $0x0  }
0x1f: {  	s9 =	smul.u32 $0xF7A, s1;
	s8 =	simm.s32 @!p0 $0x1BF5;
	p2 =	por !p2, p0  }
0x20: {  	[sflag:s8] =	ssyncset.s32 @!p0 $0xFFFFF086;
	s6 =	sadd.s32 @!p0 s3, s7;
	s7 =	simm.s32 @!p0 $0x108  }
0x21: {  	s3 =	sadd.s32 s3, s9;
	s6 =	sadd.s32 @!p0 $0x88, s6;
	s7 =	simm.s32 @p2 $0x1082  }
0x22: {  	[simem:s7], [sflag:s8] =	dma.local @!p0 [hbm:s6], $0xF7A  }
0x23: {  	s9 =	sor.u32 $0xD0000000, s2;
	s6 =	simm.s32 $0x108;
	_ =	swait.ge @!p0 [sflag:s8], $0x0  }
0x24: {  	s3 =	sadd.s32 $0x88, s3;
	s6 =	simm.s32 @!p1 $0x1082;
	[sflag:s4] =	ssyncset.s32 $0xFFFFF086  }
0x25: {  	[simem:s6], [sflag:s4] =	dma.local [hbm:s3], $0xF7A  }
0x26: {  	[smem:$0x3FA0] =	sst s1;
	(tag) =	ssettag s2;
	_ =	strace s9  }
0x27: {  	s1 =	sld [smem:$0x3FB0]  }
0x28: {  	s2 =	sld [smem:$0x3FB1]  }
0x29: {  	s4 =	sld [smem:$0x3FB3]  }
0x2a: {  	p0 =	seq.s32 s5, $0x0;
	s5 =	sld [smem:$0x3FB4]  }
0x2b: {  	s6 =	sld [smem:$0x3FB5]  }
0x2c: {  	s7 =	sld [smem:$0x3FB6]  }
0x2d: {  	s3 =	simm.s32 $0x108;
	s8 =	sld [smem:$0x3FB7]  }
0x2e: {  	s3 =	simm.s32 @!p0 $0x1082;
	s9 =	sld [smem:$0x3FB8]  }
0x2f: {  	lr =	sadd.s32 s0, s3;
	s0 =	sld [smem:$0x3FAF]  }
0x30: {  	s3 =	sld [smem:$0x3FB2]  }
0x31: {  	[smem:$0x3FBB] =	sst s10  }
0x32: {  	s10 =	sld [smem:$0x3FB9];
	_ =	sdelay $0x3  }
0x33: {  	p0 =	seq.s32 s10, $0x1;
	s10 =	sld [smem:$0x3FBB];
	_ =	sdelay $0x3  }
0x34: {  	[smem:$0x3FBB] =	sst s10  }
0x35: {  	s10 =	sld [smem:$0x3FBA];
	_ =	sdelay $0x3  }
0x36: {  	p1 =	seq.s32 s10, $0x1;
	s10 =	sld [smem:$0x3FBB];
	_ =	sdelay $0x3  }
0x37: {  	[smem:$0x3FBB] =	sst s10  }
0x38: {  	s10 =	sld [smem:$0x3FBC]  }
0x39: {  	_ = 	snop;
	(pc) =	sbr.ind lr, $3  }
0x3a: {  	_ = 	snop  }
0x3b: {  	_ = 	snop  }
0x3c: {  	p2 =	seq.s32 s10, $0x1;
	s10 =	sld [smem:$0x3FBB]  }
0x3d: {  	_ =	shalt  }
0x3e: {  	_ =	shalt  }
0x3f: {  	_ =	shalt  }
0x40: {  	_ =	shalt  }
0x41: {  	_ =	shalt  }
0x42: {  	_ =	shalt  }
0x43: {  	_ =	shalt  }
0x44: {  	_ =	shalt  }
0x45: {  	_ =	shalt  }
0x46: {  	_ =	shalt  }
0x47: {  	_ =	shalt  }
0x48: {  	_ =	shalt  }
0x49: {  	_ =	shalt  }
0x4a: {  	_ =	shalt  }
0x4b: {  	_ =	shalt  }
0x4c: {  	_ =	shalt  }
0x4d: {  	_ =	shalt  }
0x4e: {  	_ =	shalt  }
0x4f: {  	_ =	shalt  }
0x50: {  	_ =	shalt  }
0x51: {  	_ =	shalt  }
0x52: {  	_ =	shalt  }
0x53: {  	_ =	shalt  }
0x54: {  	_ =	shalt  }
0x55: {  	_ =	shalt  }
0x56: {  	_ =	shalt  }
0x57: {  	_ =	shalt  }
0x58: {  	_ =	shalt  }
0x59: {  	_ =	shalt  }
0x5a: {  	_ =	shalt  }
0x5b: {  	_ =	shalt  }
0x5c: {  	_ =	shalt  }
0x5d: {  	_ =	shalt  }
0x5e: {  	_ =	shalt  }
0x5f: {  	_ =	shalt  }
0x60: {  	_ =	shalt  }
0x61: {  	_ =	shalt  }
0x62: {  	_ =	shalt  }
0x63: {  	_ =	shalt  }
0x64: {  	_ =	shalt  }
0x65: {  	_ =	shalt  }
0x66: {  	_ =	shalt  }
0x67: {  	_ =	shalt  }
0x68: {  	_ =	shalt  }
0x69: {  	_ =	shalt  }
0x6a: {  	_ =	shalt  }
0x6b: {  	_ =	shalt  }
0x6c: {  	_ =	shalt  }
0x6d: {  	_ =	shalt  }
0x6e: {  	_ =	shalt  }
0x6f: {  	_ =	shalt  }
0x70: {  	_ =	shalt  }
0x71: {  	_ =	shalt  }
0x72: {  	_ =	shalt  }
0x73: {  	_ =	shalt  }
0x74: {  	_ =	shalt  }
0x75: {  	_ =	shalt  }
0x76: {  	_ =	shalt  }
0x77: {  	_ =	shalt  }
0x78: {  	_ =	shalt  }
0x79: {  	_ =	shalt  }
0x7a: {  	_ =	shalt  }
0x7b: {  	_ =	shalt  }
0x7c: {  	_ =	shalt  }
0x7d: {  	_ =	shalt  }
0x7e: {  	_ =	shalt  }
0x7f: {  	_ =	shalt  }
0x80: {  	_ =	shalt  }
0x81: {  	_ =	shalt  }
0x82: {  	_ =	shalt  }
0x83: {  	_ =	shalt  }
0x84: {  	_ =	shalt  }
0x85: {  	_ =	shalt  }
0x86: {  	_ =	shalt  }
0x87: {  	_ =	shalt  }
.Lfunc_end0:
.L_simem_size_0:
called_computation_lowered:
.L_overlay_start_0:
0x88: {  	s2 =	sld [smem:$0x3FD9]  }
0x89: {  	s3 =	sld [smem:$0x3FFE];
	_ =	sdelay $0x1  }
0x8a: {  	s1 =	srdreg.scid  }
0x8b: {  	s0 =	sand.u32 $0x1, s1  }
0x8c: {  	s17 =	sshll.u32 s0, $0xA;
	s2 =	sadd.s32 s3, s2  }
0x8d: {  	s2 =	sadd.s32 s2, s17  }
0x8e: {  	[smem:$0x3FC7] =	sst s2  }
0x8f: {  	_ = 	snop  }
0x90: {  	s2 =	sld [smem:$0x3FC9];
	(tm) =	ssettm $0x1  }
0x91: {  	s18 =	sld [smem:$0x3FFB];
	_ =	sdelay $0x3  }
0x92: {  	_ =	strace s18  }
0x93: {  	s3 =	sld [smem:$0x3FFC];
	_ =	sdelay $0x3  }
0x94: {  	_ =	strace s3  }
0x95: {  	s3 =	sld [smem:$0x3FFD];
	_ =	sdelay $0x3  }
0x96: {  	_ =	strace s3  }
0x97: {  	_ =	strace $0x8FFFFFFF  }
0x98: {  	s19 =	sld [smem:$0x3FDB];
	_ =	sdelay $0x1  }
0x99: {  	s4 =	simm.s32 $_scs_section_size  }
0x9a: {  	s5 =	simm.s32 $_size__tile_overlayer_lowered;
	s6 =	simm.s32 $_tile_overlayer_lowered  }
0x9b: {  	s22 =	simm.s32 $0x1BFF;
	s21 =	sshll.u32 s6, $0x1;
	s3 =	sadd.s32 s4, s19  }
0x9c: {  	s7 =	simm.s32 $0x0;
	s20 =	sshll.u32 s5, $0x1;
	s5 =	sadd.s32 s21, s3  }
0x9d: {  	[timem:s7], [sflag:s22] =	dma.local [hbm:s5], s20  }
0x9e: {  	_ =	swait.ge [sflag:s22], s20  }
0x9f: {  	s4 =	ssub.s32 $0x0, s20;
	[sflag:s22] =	ssyncset.done $0x0  }
0xa0: {  	[sflag:s22] =	ssyncadd.s32 s4;
	_ =	sdelay $0x1  }
0xa1: {  	s23 =	simm.s32 $0x1B8B  }
0xa2: {  	_ =	swait.ge [sflag:s23], $0x1  }
0xa3: {  	[sflag:s23] =	ssyncset.done $0x0  }
0xa4: {  	s25 =	simm.s32 $0x1B8E;
	s24 =	sld [smem:$0x3FFE];
	[sflag:s23] =	ssyncadd.s32 $0xFFFFFFFF  }
0xa5: {  	s26 =	simm.s32 $execute0_lowered;
	[smem:$0x3FD2] =	sst s25  }
0xa6: {  	s5 =	sshll.u32 s26, $0x1;
	_ =	strace $0x80000046;
	[dreg:$0x1] =	wrdreg $0xFFFFFFFF  }
0xa7: {  	s28 =	simm.s32 $_size_execute0_lowered;
	s3 =	sadd.s32 s3, s5;
	[dreg:$0x0] =	wrdreg $0x0  }
0xa8: {  	s5 =	sshll.u32 s28, $0x1;
	[dreg:$0x2] =	wrdreg s3  }
0xa9: {  	[dreg:$0x3] =	wrdreg s5  }
0xaa: {  	[dreg:$0x4] =	wrdreg $0xC0  }
0xab: {  	_ =	task [dreg:s7], $0x5FFFF  }
0xac: {  	[dreg:$0x1] =	wrdreg $0xFFFFFFFF  }
0xad: {  	[dreg:$0x0] =	wrdreg $0x60  }
0xae: {  	[dreg:$0x2] =	wrdreg s2  }
0xaf: {  	[dreg:$0x3] =	wrdreg s24  }
0xb0: {  	[dreg:$0x4] =	wrdreg $0x9  }
0xb1: {  	_ =	task.clear_ibuf [dreg:s7], $0x5FFFF;
	_ =	strace $0x90000046  }
0xb2: {  	s29 =	simm.s32 $0x9;
	_ =	strace $0x80000048  }
0xb3: {  	_ =	swait.ge [sflag:s29], $0x1  }
0xb4: {  	[sflag:s29] =	ssyncadd.s32 $0xFFFFFFFF  }
0xb5: {  	_ =	strace $0x90000048  }
0xb6: {  	_ =	sfence  }
0xb7: {  	s30 =	sld [smem:$0x0];
	_ =	sdelay $0x2  }
0xb8: {  	s31 =	sshll.u32 s1, $0xD;
	s1 =	sshrl.u32 s1, $0x2  }
0xb9: {  	s3 =	sand.u32 $0x4000, s31;
	s1 =	sadd.s32 s1, s30  }
0xba: {  	s0 =	sor.u32 s3, s0;
	s1 =	sshll.u32 s1, $0x11  }
0xbb: {  	s0 =	sor.u32 s1, s0  }
0xbc: {  	s0 =	sadd.s32 $0x8F2B, s0  }
0xbd: {  	[sflag:s0] =	ssyncadd.remote.s32 $0x1  }
0xbe: {  	_ =	sfence.sel $0xFFFF  }
0xbf: {  	[dreg:$0x0] =	wrdreg $0xFFFFFFFF;
	(pc) =	sbr.abs _section_cstart, $3  }
0xc0: {  	[dreg:$0x1] =	wrdreg $0xFFFFFFFF  }
0xc1: {  	_ =	task.clear_ibuf [dreg:s7], $0x2FFFF;
	_ =	strace $0x9FFFFFFF  }
0xc2: {  	(tm) =	ssettm $0x7FFFFFFF  }
0xc3: {  	_ =	shalt  }
tec
execute0_lowered:
.L_overlay_start_1:
0x0: {  	(tag) =	ssettag $0x1  }
0x1: {  	s3 =	rddreg [dreg:$0x0]  }
0x2: {  	s4 =	rddreg [dreg:$0x1]  }
0x3: {  	s0 =	rddreg [dreg:$0x2]  }
0x4: {  	s5 =	srdreg.scid;
	s1 =	stileid.u32  }
0x5: {  	s2 =	simm.s32 $0x0;
	s9 =	simm.s32 $0x10000;
	s10 =	simm.s32 $0x8000  }
0x6: {  	s11 =	simm.s32 $0x0;
	s5 =	sand.u32 $0x1, s5;
	s6 =	sshll.u32 s1, $0x5  }
0x7: {  	s7 =	sshll.u32 s1, $0xD;
	[smem:$0x7FF] =	sst s2;
	s8 =	sshll.u32 s5, $0x4  }
0x8: {  	s6 =	sand.u32 $0x60, s6;
	s7 =	sand.u32 $0x18000, s7;
	s5 =	ssub.s32 $0x2, s5  }
0x9: {  	v0 =	vlaneseq.u32;
	_ =	strace $0x80000047;
	s6 =	sor.u32 s8, s6;
	s31 =	sshrl.u32 s5, $0x1  }
0xa: {  	v4 =	vmul.u32 $0xFFFFFFFF, v0;
	s8 =	simm.s32 $0x1;
	s6 =	sor.u32 s7, s6;
	s5 =	ssub.s32 s5, s31  }
0xb: {  	v1 =	vimm.s32 $0x0;
	v3 =	vmul.u32 $0x100, v0;
	v5 =	vmul.u32 $0x10, v0;
	s7 =	simm.s32 $0x400;
	s4 =	sadd.s32 s6, s4;
	s3 =	sadd.s32 s3, s6  }
0xc: {  	v2 =	vimm.s32 $0x1;
	v6 =	vimm.f32 $0.0e+00;
	v4 =	vadd.s32 $0xF, v4;
	s5 =	smax.u32 s5, $0x1;
	s6 =	simm.s32 $0x80;
	s4 =	sadd.s32 $0x400, s4  }
.LBB2_1:
0xd: {  	s12 =	simm.s32 $0x40;
	s13 =	simm.s32 $0x0  }
.LBB2_2:
0xe: {  	p0 =	sne.s32 s12, $0x3FC0;
	[tilespmem:s13+$0x10000] =	vst v1;
	s13 =	smov.u32 s12;
	s12 =	sadd.s32 $0x40, s12  }
.Ltmp0:
0xf: {  	(pc) =	sbr.rel @p0 .LBB2_2-.Ltmp0, $2  }
0x10: {  	_ =	sdelay $0x2  }
0x11: {  	s13 =	sshra.s32 s13, $0x2  }
0x12: {  	[tilespmem:s13+$0x10000] =	vst v1;
	s12 =	simm.s32 $0x0  }
0x13: {  	[tilespmem:s12], [sflag:$0x1] =	stream.strided.gather [hbm4b:s3+s6], $0x8000, s7, s6, $0x38;
	[tilespmem:$0x11080] =	vst v63  }
0x14: {  	_ =	swait.ge [sflag:s8], $0x8000  }
0x15: {  	[sflag:s8] =	ssyncset.done $0x0  }
0x16: {  	s13 =	simm.s32 $0x0;
	[sflag:s8] =	ssyncadd.s32 $0xFFFF8000  }
.LBB2_4:
0x17: {  	s14 =	sshra.s32 s13, $0x2  }
0x18: {  	v7 =	vld [tilespmem:s14+$0x0];
	_ =	sdelay $0x4  }
0x19: {  	v8 =	vshra.s32 v7, $0x1F  }
0x1a: {  	v8 =	vor.u32 $0x80000000, v8  }
0x1b: {  	v7 =	vxor.u32 v7, v8  }
0x1c: {  	v8 =	vshrl.u32 v7, $0x14;
	_ =	sdelay $0x3  }
0x1d: {  	[tilespmem:s14+$0x8000] =	vst v7  }
0x1e: {  	[tilespmem:v8+s9+$0x0] =	vst.idx.add.s32.msk $0xffff, v2  }
0x1f: {  	v7 =	vld [tilespmem:s14+$0x10];
	_ =	sdelay $0x4  }
0x20: {  	v8 =	vshra.s32 v7, $0x1F  }
0x21: {  	v8 =	vor.u32 $0x80000000, v8  }
0x22: {  	v7 =	vxor.u32 v7, v8  }
0x23: {  	v8 =	vshrl.u32 v7, $0x14;
	_ =	sdelay $0x3  }
0x24: {  	[tilespmem:s14+$0x8010] =	vst v7  }
0x25: {  	[tilespmem:v8+s9+$0x0] =	vst.idx.add.s32.msk $0xffff, v2  }
0x26: {  	v7 =	vld [tilespmem:s14+$0x20];
	_ =	sdelay $0x4  }
0x27: {  	v8 =	vshra.s32 v7, $0x1F  }
0x28: {  	v8 =	vor.u32 $0x80000000, v8  }
0x29: {  	v7 =	vxor.u32 v7, v8  }
0x2a: {  	v8 =	vshrl.u32 v7, $0x14;
	_ =	sdelay $0x3  }
0x2b: {  	[tilespmem:s14+$0x8020] =	vst v7  }
0x2c: {  	[tilespmem:v8+s9+$0x0] =	vst.idx.add.s32.msk $0xffff, v2  }
0x2d: {  	v7 =	vld [tilespmem:s14+$0x30];
	_ =	sdelay $0x4  }
0x2e: {  	v8 =	vshra.s32 v7, $0x1F  }
0x2f: {  	v8 =	vor.u32 $0x80000000, v8  }
0x30: {  	v7 =	vxor.u32 v7, v8  }
0x31: {  	v8 =	vshrl.u32 v7, $0x14;
	_ =	sdelay $0x3  }
0x32: {  	[tilespmem:s14+$0x8030] =	vst v7  }
0x33: {  	[tilespmem:v8+s9+$0x0] =	vst.idx.add.s32.msk $0xffff, v2  }
0x34: {  	v7 =	vld [tilespmem:s14+$0x40];
	_ =	sdelay $0x4  }
0x35: {  	v8 =	vshra.s32 v7, $0x1F  }
0x36: {  	v8 =	vor.u32 $0x80000000, v8  }
0x37: {  	v7 =	vxor.u32 v7, v8  }
0x38: {  	v8 =	vshrl.u32 v7, $0x14;
	_ =	sdelay $0x3  }
0x39: {  	[tilespmem:s14+$0x8040] =	vst v7  }
0x3a: {  	[tilespmem:v8+s9+$0x0] =	vst.idx.add.s32.msk $0xffff, v2  }
0x3b: {  	v7 =	vld [tilespmem:s14+$0x50];
	_ =	sdelay $0x4  }
0x3c: {  	v8 =	vshra.s32 v7, $0x1F  }
0x3d: {  	v8 =	vor.u32 $0x80000000, v8  }
0x3e: {  	v7 =	vxor.u32 v7, v8  }
0x3f: {  	v8 =	vshrl.u32 v7, $0x14;
	_ =	sdelay $0x3  }
0x40: {  	[tilespmem:s14+$0x8050] =	vst v7  }
0x41: {  	[tilespmem:v8+s9+$0x0] =	vst.idx.add.s32.msk $0xffff, v2  }
0x42: {  	v7 =	vld [tilespmem:s14+$0x60];
	_ =	sdelay $0x4  }
0x43: {  	v8 =	vshra.s32 v7, $0x1F  }
0x44: {  	v8 =	vor.u32 $0x80000000, v8  }
0x45: {  	v7 =	vxor.u32 v7, v8  }
0x46: {  	v8 =	vshrl.u32 v7, $0x14;
	_ =	sdelay $0x3  }
0x47: {  	[tilespmem:s14+$0x8060] =	vst v7  }
0x48: {  	[tilespmem:v8+s9+$0x0] =	vst.idx.add.s32.msk $0xffff, v2  }
0x49: {  	v7 =	vld [tilespmem:s14+$0x70];
	_ =	sdelay $0x4  }
0x4a: {  	v8 =	vshra.s32 v7, $0x1F  }
0x4b: {  	v8 =	vor.u32 $0x80000000, v8  }
0x4c: {  	v7 =	vxor.u32 v7, v8  }
0x4d: {  	p0 =	sne.s32 s13, $0x1FE00;
	v8 =	vshrl.u32 v7, $0x14  }
.Ltmp1:
0x4e: {  	_ = 	snop;
	(pc) =	sbr.rel @p0 .LBB2_4-.Ltmp1, $3  }
0x4f: {  	_ =	sdelay $0x1  }
0x50: {  	[tilespmem:s14+$0x8070] =	vst v7  }
0x51: {  	s13 =	sadd.s32 $0x200, s13;
	[tilespmem:v8+s9+$0x0] =	vst.idx.add.s32.msk $0xffff, v2  }
0x52: {  	v8 =	vor.u32 s12, v3;
	_ =	sdelay $0x4  }
0x53: {  	v7 =	vimm.s32 $0x0;
	s12 =	simm.s32 $0x1;
	v8 =	vld.idx.msk [tilespmem:v8+s9+$0x0], $0xffff  }
.LBB2_6:
0x54: {  	v9 =	vor.u32 s12, v3;
	p0 =	sne.s32 s12, $0xFF;
	s12 =	sadd.s32 $0x1, s12  }
.Ltmp2:
0x55: {  	(pc) =	sbr.rel @p0 .LBB2_6-.Ltmp2, $2  }
0x56: {  	_ =	sdelay $0x2  }
0x57: {  	v7 =	vadd.s32 v7, v8;
	v8 =	vld.idx.msk [tilespmem:v9+s9+$0x0], $0xffff  }
0x58: {  	_ =	sdelay $0x3  }
0x59: {  	v7 =	vadd.s32 v7, v8  }
0x5a: {  	v8 =	vperm.xlane v7, v4;
	_ =	sdelay $0x1  }
0x5b: {  	(xrf0) =	vadd.scan.msk.s32 $0xffff, v8;
	_ =	sdelay $0x5  }
0x5c: {  	v8, _, _ =	vpop (xrf0)  }
0x5d: {  	v8 =	vperm.xlane v8, v4;
	_ =	sdelay $0x1  }
0x5e: {  	v7 =	vsub.s32 v8, v7  }
0x5f: {  	vm0 =	vgt.s32 v8, $0x666;
	vm1 =	vlt.s32 v7, $0x667  }
0x60: {  	vm0 =	vmand vm0, vm1  }
0x61: {  	v8 =	vnsel vm0, $0x0, v0  }
0x62: {  	(xrf0) =	vadd.scan.msk.s32 $0xffff, v8;
	_ =	sdelay $0x5  }
0x63: {  	v8, _, _ =	vpop (xrf0)  }
0x64: {  	(v2sf) =	vpush v8, $0xF;
	_ =	sdelay $0xe  }
0x65: {  	s12 =	spop (v2sf)  }
0x66: {  	s13 =	simm.s32 $0x0;
	s12 =	sshll.u32 s12, $0x8  }
0x67: {  	s13 =	sor.u32 s12, s13  }
0x68: {  	v9 =	vor.u32 s13, v5;
	_ =	sdelay $0x2  }
0x69: {  	s31 =	simm.s32 $0x1  }
0x6a: {  	s14 =	sor.u32 s12, s31  }
0x6b: {  	v8 =	vimm.s32 $0x0;
	s13 =	simm.s32 $0x2;
	v10 =	vor.u32 s14, v5;
	v9 =	vld.idx.msk [tilespmem:v9+s9+$0x0], $0xffff  }
.LBB2_8:
0x6c: {  	p0 =	sne.s32 s13, $0xF  }
.Ltmp3:
0x6d: {  	_ = 	snop;
	(pc) =	sbr.rel @p0 .LBB2_8-.Ltmp3, $3  }
0x6e: {  	_ =	sdelay $0x1  }
0x6f: {  	s14 =	sor.u32 s12, s13;
	s13 =	sadd.s32 $0x1, s13;
	v8 =	vadd.s32 v8, v9;
	v9 =	vld.idx.msk [tilespmem:v10+s9+$0x0], $0xffff  }
0x70: {  	v10 =	vor.u32 s14, v5  }
0x71: {  	_ =	sdelay $0x3  }
0x72: {  	v10 =	vld.idx.msk [tilespmem:v10+s9+$0x0], $0xffff;
	_ =	sdelay $0x3  }
0x73: {  	v8 =	vadd.s32 v8, v9  }
0x74: {  	v8 =	vadd.s32 v8, v10  }
0x75: {  	v7 =	vnsel vm0, $0x0, v7;
	v9 =	vperm.xlane v8, v4  }
0x76: {  	(xrf0) =	vadd.scan.msk.s32 $0xffff, v7  }
0x77: {  	(xrf0) =	vadd.scan.msk.s32 $0xffff, v9;
	_ =	sdelay $0x4  }
0x78: {  	v7, _, _ =	vpop (xrf0)  }
0x79: {  	v9, _, _ =	vpop (xrf0)  }
0x7a: {  	v7 =	vbroadcast v7, $0xF;
	v9 =	vperm.xlane v9, v4;
	_ =	sdelay $0x1  }
0x7b: {  	v7 =	vadd.s32 v7, v9  }
0x7c: {  	v8 =	vsub.s32 v7, v8  }
0x7d: {  	vm0 =	vgt.s32 v7, $0x666;
	vm1 =	vlt.s32 v8, $0x667  }
0x7e: {  	vm0 =	vmand vm0, vm1  }
0x7f: {  	v7 =	vnsel vm0, $0x0, v0  }
0x80: {  	(xrf0) =	vadd.scan.msk.s32 $0xffff, v7;
	_ =	sdelay $0x5  }
0x81: {  	v7, _, _ =	vpop (xrf0)  }
0x82: {  	(v2sf) =	vpush v7, $0xF;
	_ =	sdelay $0xe  }
0x83: {  	s13 =	spop (v2sf)  }
0x84: {  	s13 =	sshll.u32 s13, $0x4  }
0x85: {  	s12 =	sadd.s32 s12, s13  }
0x86: {  	v9 =	vor.u32 s12, v0;
	_ =	sdelay $0x4  }
0x87: {  	v7 =	vld.idx.msk [tilespmem:v9+s9+$0x0], $0xffff;
	_ =	sdelay $0x4  }
0x88: {  	v10 =	vperm.xlane v7, v4;
	_ =	sdelay $0x1  }
0x89: {  	(xrf0) =	vadd.scan.msk.s32 $0xffff, v10;
	_ =	sdelay $0x5  }
0x8a: {  	v10, _, _ =	vpop (xrf0)  }
0x8b: {  	s13 =	simm.s32 $0x0;
	s12 =	simm.s32 $0x40;
	v10 =	vperm.xlane v10, v4  }
.LBB2_10:
0x8c: {  	p0 =	sne.s32 s12, $0x3FC0;
	[tilespmem:s13+$0x10000] =	vst v1;
	s13 =	smov.u32 s12;
	s12 =	sadd.s32 $0x40, s12  }
.Ltmp4:
0x8d: {  	(pc) =	sbr.rel @p0 .LBB2_10-.Ltmp4, $2  }
0x8e: {  	_ =	sdelay $0x2  }
0x8f: {  	s13 =	sshra.s32 s13, $0x2  }
0x90: {  	v8 =	vnsel vm0, $0x0, v8  }
0x91: {  	(xrf0) =	vadd.scan.msk.s32 $0xffff, v8;
	_ =	sdelay $0x5  }
0x92: {  	v8, _, _ =	vpop (xrf0)  }
0x93: {  	v8 =	vbroadcast v8, $0xF;
	_ =	sdelay $0x1  }
0x94: {  	v8 =	vadd.s32 v10, v8  }
0x95: {  	v10 =	vsub.s32 v8, v7  }
0x96: {  	vm15 =	vgt.s32 v8, $0x666;
	vm1 =	vlt.s32 v10, $0x667  }
0x97: {  	vm0 =	vmand vm15, vm1  }
0x98: {  	v8 =	vnsel vm0, $0x0, v9  }
0x99: {  	(xrf0) =	vadd.scan.msk.s32 $0xffff, v8;
	v8 =	vnsel vm0, $0x0, v10  }
0x9a: {  	v7 =	vnsel vm0, $0x0, v7;
	(xrf0) =	vadd.scan.msk.s32 $0xffff, v8  }
0x9b: {  	(xrf0) =	vadd.scan.msk.s32 $0xffff, v7;
	_ =	sdelay $0x3  }
0x9c: {  	v8, _, _ =	vpop (xrf0)  }
0x9d: {  	v7, _, _ =	vpop (xrf0);
	(v2sf) =	vpush v8, $0xF  }
0x9e: {  	(v2sf) =	vpush v7, $0xF;
	v7, _, _ =	vpop (xrf0)  }
0x9f: {  	(v2sf) =	vpush v7, $0xF;
	_ =	sdelay $0xc  }
0xa0: {  	s12 =	spop (v2sf)  }
0xa1: {  	s14 =	spop (v2sf)  }
0xa2: {  	s15 =	spop (v2sf)  }
0xa3: {  	s15 =	sadd.s32 s15, s14  }
0xa4: {  	p0 =	sne.s32 s15, $0x667  }
.Ltmp5:
0xa5: {  	_ = 	snop;
	(pc) =	sbr.rel @p0 .LBB2_15-.Ltmp5, $3  }
0xa6: {  	_ =	sdelay $0x1  }
0xa7: {  	[tilespmem:s13+$0x10000] =	vst v1;
	v7 =	vimm.s32 $0x80000000  }
0xa8: {  	s13 =	simm.s32 $0x0;
	v8 =	vbroadcast v8, $0xF;
	[tilespmem:$0x11000] =	vst v7  }
0xa9: {  	s15 =	sshra.s32 s13, $0x2  }
0xaa: {  	v9 =	vld [tilespmem:s15+$0x8000];
	_ =	sdelay $0x2  }
0xab: {  	v10 =	vld [tilespmem:s15+$0x8010];
	_ =	sdelay $0x1  }
0xac: {  	v11 =	vxor.u32 $0x80000000, v9  }
0xad: {  	v12 =	vld [tilespmem:s15+$0x8020];
	v9 =	vshrl.u32 v9, $0x14;
	vm0 =	vgt.s32 v7, v11  }
0xae: {  	vm1 =	vlt.s32 v9, v8;
	v9 =	vsel vm0, v7, v11  }
0xaf: {  	v7 =	vsel vm1, v9, v7;
	v9 =	vxor.u32 $0x80000000, v10  }
0xb0: {  	v11 =	vld [tilespmem:s15+$0x8030];
	v10 =	vshrl.u32 v10, $0x14;
	vm6 =	vgt.s32 v7, v9  }
0xb1: {  	vm7 =	vlt.s32 v10, v8;
	v9 =	vsel vm6, v7, v9  }
0xb2: {  	v7 =	vsel vm7, v9, v7;
	v9 =	vxor.u32 $0x80000000, v12  }
0xb3: {  	v63 =	vld [tilespmem:s15+$0x8040];
	v10 =	vshrl.u32 v12, $0x14;
	vm8 =	vgt.s32 v7, v9  }
0xb4: {  	vm9 =	vlt.s32 v10, v8;
	v9 =	vsel vm8, v7, v9  }
0xb5: {  	v7 =	vsel vm9, v9, v7;
	v9 =	vxor.u32 $0x80000000, v11  }
0xb6: {  	v10 =	vshrl.u32 v11, $0x14;
	v11 =	vld [tilespmem:s15+$0x8050];
	vm10 =	vgt.s32 v7, v9  }
0xb7: {  	vm11 =	vlt.s32 v10, v8;
	v9 =	vsel vm10, v7, v9  }
0xb8: {  	v10 =	vxor.u32 $0x80000000, v63;
	v9 =	vsel vm11, v9, v7  }
0xb9: {  	v12 =	vshrl.u32 v63, $0x14;
	vm12 =	vgt.s32 v9, v10  }
0xba: {  	vm13 =	vlt.s32 v12, v8;
	v7 =	vld [tilespmem:s15+$0x8060];
	v10 =	vsel vm12, v9, v10  }
0xbb: {  	v10 =	vsel vm13, v10, v9;
	v9 =	vxor.u32 $0x80000000, v11  }
0xbc: {  	v11 =	vshrl.u32 v11, $0x14;
	vm14 =	vgt.s32 v10, v9  }
0xbd: {  	vm15 =	vlt.s32 v11, v8;
	v11 =	vsel vm14, v10, v9;
	v9 =	vld [tilespmem:s15+$0x8070]  }
0xbe: {  	s16 =	sadd.s32 $0x200, s13  }
0xbf: {  	s13 =	sshra.s32 s16, $0x2;
	s15 =	sadd.s32 $0x200, s16;
	v10 =	vsel vm15, v11, v10;
	v11 =	vxor.u32 $0x80000000, v7  }
.LBB2_13:
0xc0: {  	p0 =	sne.s32 s15, $0x1FE00;
	v12 =	vld [tilespmem:s13+$0x8000];
	v7 =	vshrl.u32 v7, $0x14;
	vm0 =	vgt.s32 v10, v11  }
0xc1: {  	vm1 =	vlt.s32 v7, v8;
	v7 =	vsel vm0, v10, v11  }
0xc2: {  	v7 =	vsel vm1, v7, v10;
	v10 =	vxor.u32 $0x80000000, v9  }
0xc3: {  	v9 =	vshrl.u32 v9, $0x14;
	v11 =	vld [tilespmem:s13+$0x8010];
	vm0 =	vgt.s32 v7, v10  }
0xc4: {  	vm1 =	vlt.s32 v9, v8;
	v9 =	vsel vm0, v7, v10  }
0xc5: {  	v10 =	vxor.u32 $0x80000000, v12;
	v7 =	vsel vm1, v9, v7  }
0xc6: {  	v9 =	vshrl.u32 v12, $0x14;
	vm0 =	vgt.s32 v7, v10;
	v12 =	vld [tilespmem:s13+$0x8020]  }
0xc7: {  	vm1 =	vlt.s32 v9, v8;
	v9 =	vsel vm0, v7, v10  }
0xc8: {  	v7 =	vsel vm1, v9, v7;
	v9 =	vxor.u32 $0x80000000, v11  }
0xc9: {  	v10 =	vshrl.u32 v11, $0x14;
	vm0 =	vgt.s32 v7, v9;
	v11 =	vld [tilespmem:s13+$0x8030]  }
0xca: {  	vm1 =	vlt.s32 v10, v8;
	v9 =	vsel vm0, v7, v9  }
0xcb: {  	v7 =	vsel vm1, v9, v7;
	v9 =	vxor.u32 $0x80000000, v12  }
0xcc: {  	v10 =	vshrl.u32 v12, $0x14;
	vm0 =	vgt.s32 v7, v9;
	v12 =	vld [tilespmem:s13+$0x8040]  }
0xcd: {  	vm1 =	vlt.s32 v10, v8;
	v9 =	vsel vm0, v7, v9  }
0xce: {  	v7 =	vsel vm1, v9, v7;
	v9 =	vxor.u32 $0x80000000, v11  }
0xcf: {  	v10 =	vshrl.u32 v11, $0x14;
	vm0 =	vgt.s32 v7, v9;
	v11 =	vld [tilespmem:s13+$0x8050]  }
0xd0: {  	vm1 =	vlt.s32 v10, v8;
	v9 =	vsel vm0, v7, v9  }
0xd1: {  	v9 =	vsel vm1, v9, v7;
	v10 =	vxor.u32 $0x80000000, v12  }
0xd2: {  	v12 =	vshrl.u32 v12, $0x14;
	vm0 =	vgt.s32 v9, v10;
	v7 =	vld [tilespmem:s13+$0x8060]  }
.Ltmp6:
0xd3: {  	vm1 =	vlt.s32 v12, v8;
	v10 =	vsel vm0, v9, v10;
	(pc) =	sbr.rel @p0 .LBB2_13-.Ltmp6, $4  }
0xd4: {  	v10 =	vsel vm1, v10, v9;
	v12 =	vxor.u32 $0x80000000, v11  }
0xd5: {  	v11 =	vshrl.u32 v11, $0x14;
	vm0 =	vgt.s32 v10, v12;
	v9 =	vld [tilespmem:s13+$0x8070]  }
0xd6: {  	vm1 =	vlt.s32 v11, v8;
	v11 =	vsel vm0, v10, v12  }
0xd7: {  	s13 =	sshra.s32 s15, $0x2;
	s15 =	sadd.s32 $0x200, s15;
	v10 =	vsel vm1, v11, v10;
	v11 =	vxor.u32 $0x80000000, v7  }
0xd8: {  	v12 =	vld [tilespmem:s13+$0x8000];
	v7 =	vshrl.u32 v7, $0x14;
	vm0 =	vgt.s32 v10, v11  }
0xd9: {  	vm1 =	vlt.s32 v7, v8;
	v7 =	vsel vm0, v10, v11  }
0xda: {  	v7 =	vsel vm1, v7, v10;
	v10 =	vxor.u32 $0x80000000, v9  }
0xdb: {  	v11 =	vld [tilespmem:s13+$0x8010];
	v9 =	vshrl.u32 v9, $0x14;
	vm10 =	vgt.s32 v7, v10  }
0xdc: {  	vm11 =	vlt.s32 v9, v8;
	v9 =	vsel vm10, v7, v10  }
0xdd: {  	v10 =	vxor.u32 $0x80000000, v12;
	v7 =	vsel vm11, v9, v7  }
0xde: {  	v61 =	vld [tilespmem:s13+$0x8020];
	v9 =	vshrl.u32 v12, $0x14;
	vm12 =	vgt.s32 v7, v10  }
0xdf: {  	vm13 =	vlt.s32 v9, v8;
	v9 =	vsel vm12, v7, v10  }
0xe0: {  	v7 =	vsel vm13, v9, v7;
	v9 =	vxor.u32 $0x80000000, v11  }
0xe1: {  	v10 =	vshrl.u32 v11, $0x14;
	v11 =	vld [tilespmem:s13+$0x8030];
	vm14 =	vgt.s32 v7, v9  }
0xe2: {  	vm15 =	vlt.s32 v10, v8;
	v9 =	vsel vm14, v7, v9  }
0xe3: {  	v7 =	vsel vm15, v9, v7;
	v9 =	vxor.u32 $0x80000000, v61  }
0xe4: {  	v62 =	vld [tilespmem:s13+$0x8040];
	v10 =	vshrl.u32 v61, $0x14;
	vm4 =	vgt.s32 v7, v9  }
0xe5: {  	vm5 =	vlt.s32 v10, v8;
	v9 =	vsel vm4, v7, v9  }
0xe6: {  	v7 =	vsel vm5, v9, v7;
	v9 =	vxor.u32 $0x80000000, v11  }
0xe7: {  	v10 =	vshrl.u32 v11, $0x14;
	v11 =	vld [tilespmem:s13+$0x8050];
	vm6 =	vgt.s32 v7, v9  }
0xe8: {  	vm7 =	vlt.s32 v10, v8;
	v9 =	vsel vm6, v7, v9  }
0xe9: {  	v7 =	vsel vm7, v9, v7;
	v9 =	vxor.u32 $0x80000000, v62  }
0xea: {  	v63 =	vld [tilespmem:s13+$0x8060];
	v10 =	vshrl.u32 v62, $0x14;
	vm8 =	vgt.s32 v7, v9  }
0xeb: {  	vm9 =	vlt.s32 v10, v8;
	v9 =	vsel vm8, v7, v9  }
0xec: {  	v7 =	vsel vm9, v9, v7;
	v9 =	vxor.u32 $0x80000000, v11  }
0xed: {  	v10 =	vshrl.u32 v11, $0x14;
	v11 =	vld [tilespmem:s13+$0x8070];
	vm10 =	vgt.s32 v7, v9  }
0xee: {  	vm11 =	vlt.s32 v10, v8;
	v9 =	vsel vm10, v7, v9  }
0xef: {  	v7 =	vsel vm11, v9, v7;
	v9 =	vxor.u32 $0x80000000, v63  }
0xf0: {  	v10 =	vshrl.u32 v63, $0x14;
	vm12 =	vgt.s32 v7, v9  }
0xf1: {  	vm13 =	vlt.s32 v10, v8;
	v9 =	vsel vm12, v7, v9  }
0xf2: {  	v7 =	vsel vm13, v9, v7;
	v9 =	vxor.u32 $0x80000000, v11  }
0xf3: {  	v10 =	vshrl.u32 v11, $0x14;
	vm14 =	vgt.s32 v7, v9  }
0xf4: {  	vm15 =	vlt.s32 v10, v8;
	v9 =	vsel vm14, v7, v9  }
0xf5: {  	v7 =	vsel vm15, v9, v7  }
0xf6: {  	[tilespmem:$0x11000] =	vst v7  }
.LBB2_15:
0xf7: {  	v7 =	vimm.s32 $0x0;
	s13 =	simm.s32 $0x0  }
.LBB2_16:
0xf8: {  	s15 =	sshra.s32 s13, $0x2  }
0xf9: {  	v9 =	vld [tilespmem:s15+$0x8000];
	_ =	sdelay $0x4  }
0xfa: {  	v10 =	vshrl.u32 v9, $0x14  }
0xfb: {  	vm0 =	veq.s32 v10, v8;
	v10 =	vshll.u32 v7, $0x4  }
0xfc: {  	v10 =	vor.u32 v0, v10;
	_ =	sdelay $0x4  }
0xfd: {  	[tilespmem:v10+s10+$0x0] =	vst.idx.msk vm0, v9  }
0xfe: {  	v9 =	vld [tilespmem:s15+$0x8010];
	_ =	sdelay $0x3  }
0xff: {  	v10 =	vsel vm0, $0x1, v1  }
0x100: {  	v7 =	vadd.s32 v10, v7;
	v10 =	vshrl.u32 v9, $0x14  }
0x101: {  	vm9 =	veq.s32 v10, v8;
	v10 =	vshll.u32 v7, $0x4  }
0x102: {  	v10 =	vor.u32 v0, v10;
	_ =	sdelay $0x4  }
0x103: {  	[tilespmem:v10+s10+$0x0] =	vst.idx.msk vm9, v9  }
0x104: {  	v9 =	vld [tilespmem:s15+$0x8020];
	_ =	sdelay $0x3  }
0x105: {  	v10 =	vsel vm9, $0x1, v1  }
0x106: {  	v7 =	vadd.s32 v10, v7;
	v10 =	vshrl.u32 v9, $0x14  }
0x107: {  	vm10 =	veq.s32 v10, v8;
	v10 =	vshll.u32 v7, $0x4  }
0x108: {  	v10 =	vor.u32 v0, v10;
	_ =	sdelay $0x4  }
0x109: {  	[tilespmem:v10+s10+$0x0] =	vst.idx.msk vm10, v9  }
0x10a: {  	v9 =	vld [tilespmem:s15+$0x8030];
	_ =	sdelay $0x3  }
0x10b: {  	v10 =	vsel vm10, $0x1, v1  }
0x10c: {  	v7 =	vadd.s32 v10, v7;
	v10 =	vshrl.u32 v9, $0x14  }
0x10d: {  	vm11 =	veq.s32 v10, v8;
	v10 =	vshll.u32 v7, $0x4  }
0x10e: {  	v10 =	vor.u32 v0, v10;
	_ =	sdelay $0x4  }
0x10f: {  	[tilespmem:v10+s10+$0x0] =	vst.idx.msk vm11, v9  }
0x110: {  	v9 =	vld [tilespmem:s15+$0x8040];
	_ =	sdelay $0x3  }
0x111: {  	v10 =	vsel vm11, $0x1, v1  }
0x112: {  	v7 =	vadd.s32 v10, v7;
	v10 =	vshrl.u32 v9, $0x14  }
0x113: {  	vm12 =	veq.s32 v10, v8;
	v10 =	vshll.u32 v7, $0x4  }
0x114: {  	v10 =	vor.u32 v0, v10;
	_ =	sdelay $0x4  }
0x115: {  	[tilespmem:v10+s10+$0x0] =	vst.idx.msk vm12, v9  }
0x116: {  	v9 =	vld [tilespmem:s15+$0x8050];
	_ =	sdelay $0x3  }
0x117: {  	v10 =	vsel vm12, $0x1, v1  }
0x118: {  	v7 =	vadd.s32 v10, v7;
	v10 =	vshrl.u32 v9, $0x14  }
0x119: {  	vm13 =	veq.s32 v10, v8;
	v10 =	vshll.u32 v7, $0x4  }
0x11a: {  	v10 =	vor.u32 v0, v10;
	_ =	sdelay $0x4  }
0x11b: {  	[tilespmem:v10+s10+$0x0] =	vst.idx.msk vm13, v9  }
0x11c: {  	v9 =	vld [tilespmem:s15+$0x8060];
	_ =	sdelay $0x3  }
0x11d: {  	v10 =	vsel vm13, $0x1, v1  }
0x11e: {  	v7 =	vadd.s32 v10, v7;
	v10 =	vshrl.u32 v9, $0x14  }
0x11f: {  	vm14 =	veq.s32 v10, v8;
	v10 =	vshll.u32 v7, $0x4  }
0x120: {  	v10 =	vor.u32 v0, v10;
	_ =	sdelay $0x4  }
0x121: {  	[tilespmem:v10+s10+$0x0] =	vst.idx.msk vm14, v9  }
0x122: {  	v9 =	vld [tilespmem:s15+$0x8070];
	_ =	sdelay $0x3  }
0x123: {  	v10 =	vsel vm14, $0x1, v1  }
0x124: {  	v7 =	vadd.s32 v10, v7;
	v10 =	vshrl.u32 v9, $0x14  }
0x125: {  	vm15 =	veq.s32 v10, v8;
	v10 =	vshll.u32 v7, $0x4  }
0x126: {  	p0 =	sne.s32 s13, $0x1FE00;
	v10 =	vor.u32 v0, v10  }
.Ltmp7:
0x127: {  	_ = 	snop;
	(pc) =	sbr.rel @p0 .LBB2_16-.Ltmp7, $3  }
0x128: {  	_ =	sdelay $0x1  }
0x129: {  	v11 =	vsel vm15, $0x1, v1  }
0x12a: {  	s13 =	sadd.s32 $0x200, s13;
	v7 =	vadd.s32 v11, v7;
	[tilespmem:v10+s10+$0x0] =	vst.idx.msk vm15, v9  }
0x12b: {  	v8 =	vxor.u32 $0x80000000, v7  }
0x12c: {  	(xrf0) =	vmax.scan.msk.u32 $0xffff, v8;
	_ =	sdelay $0x5  }
0x12d: {  	v8, _, _ =	vpop (xrf0)  }
0x12e: {  	(v2sf) =	vpush v8, $0xF;
	_ =	sdelay $0xe  }
0x12f: {  	s13 =	spop (v2sf)  }
0x130: {  	s13 =	sxor.u32 $0x80000000, s13  }
0x131: {  	p0 =	slt.s32 s13, $0x1  }
.Ltmp8:
0x132: {  	_ = 	snop;
	(pc) =	sbr.rel @p0 .LBB2_21-.Ltmp8, $2  }
0x133: {  	_ =	sdelay $0x2  }
0x134: {  	s15 =	simm.s32 $0x0  }
0x135: {  	v8 =	vor.u32 s15, v0;
	_ =	sdelay $0x4  }
0x136: {  	v8 =	vld.idx.msk [tilespmem:v8+s10+$0x0], $0xffff  }
0x137: {  	p1 =	sne.s32 s13, $0x1  }
.Ltmp9:
0x138: {  	_ = 	snop;
	(pc) =	sbr.rel @!p1 .LBB2_20-.Ltmp9, $4  }
0x139: {  	_ = 	snop  }
0x13a: {  	v9 =	vmov s15  }
0x13b: {  	vm0 =	vlt.s32 v9, v7;
	v8 =	vshrl.u32 v8, $0x8  }
0x13c: {  	s16 =	simm.s32 $0x1;
	s17 =	simm.s32 $0x10;
	v8 =	vand.u32 $0xFFF, v8  }
.LBB2_19:
0x13d: {  	v9 =	vor.u32 s17, v0;
	s18 =	smov.u32 s16;
	s16 =	sadd.s32 $0x1, s16  }
0x13e: {  	p1 =	sne.s32 s13, s16;
	_ =	sdelay $0x2  }
0x13f: {  	[tilespmem:v8+s9+$0x0] =	vst.idx.add.s32.msk vm0, v2  }
0x140: {  	v8 =	vld.idx.msk [tilespmem:v9+s10+$0x0], $0xffff;
	_ =	sdelay $0x2  }
.Ltmp10:
0x141: {  	(pc) =	sbr.rel @p1 .LBB2_19-.Ltmp10, $4  }
0x142: {  	_ = 	snop  }
0x143: {  	v9 =	vmov s18  }
0x144: {  	vm0 =	vlt.s32 v9, v7;
	v8 =	vshrl.u32 v8, $0x8  }
0x145: {  	s17 =	sadd.s32 $0x10, s17;
	v8 =	vand.u32 $0xFFF, v8  }
.LBB2_20:
0x146: {  	_ =	sdelay $0x4  }
0x147: {  	[tilespmem:v8+s9+$0x0] =	vst.idx.add.s32.msk vm0, v2  }
.LBB2_21:
0x148: {  	v9 =	vor.u32 s15, v3;
	_ =	sdelay $0x4  }
0x149: {  	v8 =	vimm.s32 $0x0;
	s15 =	simm.s32 $0x1;
	v9 =	vld.idx.msk [tilespmem:v9+s9+$0x0], $0xffff  }
.LBB2_22:
0x14a: {  	v10 =	vor.u32 s15, v3;
	p1 =	sne.s32 s15, $0xFF;
	s15 =	sadd.s32 $0x1, s15  }
.Ltmp11:
0x14b: {  	(pc) =	sbr.rel @p1 .LBB2_22-.Ltmp11, $2  }
0x14c: {  	_ =	sdelay $0x2  }
0x14d: {  	v8 =	vadd.s32 v8, v9;
	v9 =	vld.idx.msk [tilespmem:v10+s9+$0x0], $0xffff  }
0x14e: {  	_ =	sdelay $0x3  }
0x14f: {  	v8 =	vadd.s32 v8, v9  }
0x150: {  	v9 =	vperm.xlane v8, v4;
	_ =	sdelay $0x1  }
0x151: {  	(xrf0) =	vadd.scan.msk.s32 $0xffff, v9;
	_ =	sdelay $0x5  }
0x152: {  	v9, _, _ =	vpop (xrf0)  }
0x153: {  	v10 =	vperm.xlane v9, v4;
	_ =	sdelay $0x1  }
0x154: {  	s15 =	ssub.s32 $0x667, s14;
	v9 =	vsub.s32 v10, v8  }
0x155: {  	vm0 =	vge.s32 v10, s15;
	vm1 =	vlt.s32 v9, s15  }
0x156: {  	vm0 =	vmand vm0, vm1  }
0x157: {  	v8 =	vnsel vm0, $0x0, v0  }
0x158: {  	(xrf0) =	vadd.scan.msk.s32 $0xffff, v8;
	_ =	sdelay $0x5  }
0x159: {  	v8, _, _ =	vpop (xrf0)  }
0x15a: {  	(v2sf) =	vpush v8, $0xF;
	_ =	sdelay $0xe  }
0x15b: {  	s30 =	spop (v2sf)  }
0x15c: {  	s16 =	simm.s32 $0x0;
	s14 =	sshll.u32 s30, $0x8  }
0x15d: {  	s16 =	sor.u32 s14, s16  }
0x15e: {  	v11 =	vor.u32 s16, v5;
	_ =	sdelay $0x2  }
0x15f: {  	s31 =	simm.s32 $0x1  }
0x160: {  	s17 =	sor.u32 s14, s31  }
0x161: {  	v10 =	vimm.s32 $0x0;
	v8 =	vmov s15;
	s16 =	simm.s32 $0x2;
	v12 =	vor.u32 s17, v5;
	v11 =	vld.idx.msk [tilespmem:v11+s9+$0x0], $0xffff  }
.LBB2_24:
0x162: {  	p1 =	sne.s32 s16, $0xF  }
.Ltmp12:
0x163: {  	_ = 	snop;
	(pc) =	sbr.rel @p1 .LBB2_24-.Ltmp12, $3  }
0x164: {  	_ =	sdelay $0x1  }
0x165: {  	s17 =	sor.u32 s14, s16;
	s16 =	sadd.s32 $0x1, s16;
	v10 =	vadd.s32 v10, v11;
	v11 =	vld.idx.msk [tilespmem:v12+s9+$0x0], $0xffff  }
0x166: {  	v12 =	vor.u32 s17, v5  }
0x167: {  	_ =	sdelay $0x3  }
0x168: {  	v12 =	vld.idx.msk [tilespmem:v12+s9+$0x0], $0xffff;
	_ =	sdelay $0x3  }
0x169: {  	v10 =	vadd.s32 v10, v11  }
0x16a: {  	v10 =	vadd.s32 v10, v12  }
0x16b: {  	v9 =	vnsel vm0, $0x0, v9;
	v11 =	vperm.xlane v10, v4  }
0x16c: {  	(xrf0) =	vadd.scan.msk.s32 $0xffff, v9  }
0x16d: {  	(xrf0) =	vadd.scan.msk.s32 $0xffff, v11;
	_ =	sdelay $0x4  }
0x16e: {  	v9, _, _ =	vpop (xrf0)  }
0x16f: {  	v11, _, _ =	vpop (xrf0)  }
0x170: {  	v9 =	vbroadcast v9, $0xF;
	v11 =	vperm.xlane v11, v4;
	_ =	sdelay $0x1  }
0x171: {  	v9 =	vadd.s32 v9, v11  }
0x172: {  	v10 =	vsub.s32 v9, v10  }
0x173: {  	vm13 =	vge.s32 v9, v8;
	vm1 =	vlt.s32 v10, v8  }
0x174: {  	vm0 =	vmand vm13, vm1  }
0x175: {  	v9 =	vnsel vm0, $0x0, v0  }
0x176: {  	(xrf0) =	vadd.scan.msk.s32 $0xffff, v9;
	_ =	sdelay $0x5  }
0x177: {  	v9, _, _ =	vpop (xrf0)  }
0x178: {  	(v2sf) =	vpush v9, $0xF;
	_ =	sdelay $0xe  }
0x179: {  	s16 =	spop (v2sf)  }
0x17a: {  	s16 =	sshll.u32 s16, $0x4  }
0x17b: {  	s14 =	sadd.s32 s14, s16  }
0x17c: {  	v9 =	vor.u32 s14, v0;
	_ =	sdelay $0x4  }
0x17d: {  	v11 =	vld.idx.msk [tilespmem:v9+s9+$0x0], $0xffff;
	_ =	sdelay $0x4  }
0x17e: {  	v10 =	vnsel vm0, $0x0, v10;
	v63 =	vperm.xlane v11, v4  }
0x17f: {  	(xrf0) =	vadd.scan.msk.s32 $0xffff, v10  }
0x180: {  	(xrf0) =	vadd.scan.msk.s32 $0xffff, v63;
	_ =	sdelay $0x4  }
0x181: {  	v10, _, _ =	vpop (xrf0)  }
0x182: {  	v12, _, _ =	vpop (xrf0)  }
0x183: {  	v10 =	vbroadcast v10, $0xF;
	v12 =	vperm.xlane v12, v4;
	_ =	sdelay $0x1  }
0x184: {  	v10 =	vadd.s32 v12, v10  }
0x185: {  	v11 =	vsub.s32 v10, v11  }
0x186: {  	vm14 =	vge.s32 v10, v8;
	vm15 =	vlt.s32 v11, v8  }
0x187: {  	vm0 =	vmand vm14, vm15  }
0x188: {  	v8 =	vnsel vm0, $0x0, v9  }
0x189: {  	(xrf0) =	vadd.scan.msk.s32 $0xffff, v8;
	v8 =	vnsel vm0, $0x0, v11  }
0x18a: {  	(xrf0) =	vadd.scan.msk.s32 $0xffff, v8;
	_ =	sdelay $0x4  }
0x18b: {  	v8, _, _ =	vpop (xrf0)  }
0x18c: {  	(v2sf) =	vpush v8, $0xF;
	v9, _, _ =	vpop (xrf0)  }
0x18d: {  	(v2sf) =	vpush v9, $0xF;
	_ =	sdelay $0x9  }
0x18e: {  	p1 =	sgt.s32 s13, $0x0  }
.Ltmp13:
0x18f: {  	_ = 	snop;
	(pc) =	sbr.rel @!p1 .LBB2_31-.Ltmp13, $3  }
0x190: {  	_ =	sdelay $0x1  }
0x191: {  	s14 =	spop (v2sf)  }
0x192: {  	s17 =	simm.s32 $0x0;
	v10 =	vimm.s32 $0x0;
	v9 =	vimm.s32 $0x0;
	s16 =	spop (v2sf)  }
0x193: {  	v9 =	vor.u32 s17, v0;
	_ =	sdelay $0x4  }
0x194: {  	v9 =	vld.idx.msk [tilespmem:v9+s10+$0x0], $0xffff  }
0x195: {  	p1 =	seq.s32 s13, $0x1  }
.Ltmp14:
0x196: {  	_ = 	snop;
	(pc) =	sbr.rel @p1 .LBB2_28-.Ltmp14, $4  }
0x197: {  	_ = 	snop  }
0x198: {  	v11 =	vmov s17  }
0x199: {  	vm0 =	vlt.s32 v11, v7;
	v9 =	vshrl.u32 v9, $0x8  }
0x19a: {  	s18 =	simm.s32 $0x1;
	s19 =	simm.s32 $0x10;
	v9 =	vand.u32 $0xFFF, v9  }
.LBB2_27:
0x19b: {  	v11 =	vor.u32 s19, v0;
	s20 =	smov.u32 s18;
	s18 =	sadd.s32 $0x1, s18  }
0x19c: {  	p1 =	seq.s32 s13, s18;
	_ =	sdelay $0x2  }
0x19d: {  	[tilespmem:v9+s9+$0x0] =	vst.idx.msk vm0, v1  }
0x19e: {  	v9 =	vld.idx.msk [tilespmem:v11+s10+$0x0], $0xffff;
	_ =	sdelay $0x2  }
.Ltmp15:
0x19f: {  	(pc) =	sbr.rel @!p1 .LBB2_27-.Ltmp15, $4  }
0x1a0: {  	_ = 	snop  }
0x1a1: {  	v11 =	vmov s20  }
0x1a2: {  	vm0 =	vlt.s32 v11, v7;
	v9 =	vshrl.u32 v9, $0x8  }
0x1a3: {  	s19 =	sadd.s32 $0x10, s19;
	v9 =	vand.u32 $0xFFF, v9  }
.LBB2_28:
0x1a4: {  	s18 =	simm.s32 $0x0  }
0x1a5: {  	v12 =	vor.u32 s18, v0;
	_ =	sdelay $0x3  }
0x1a6: {  	[tilespmem:v9+s9+$0x0] =	vst.idx.msk vm0, v1  }
0x1a7: {  	v12 =	vld.idx.msk [tilespmem:v12+s10+$0x0], $0xffff;
	_ =	sdelay $0x3  }
0x1a8: {  	p1 =	sne.s32 s13, $0x1  }
.Ltmp16:
0x1a9: {  	v11 =	vbroadcast v8, $0xF;
	v13 =	vshrl.u32 v12, $0x8;
	(pc) =	sbr.rel @!p1 .LBB2_30-.Ltmp16, $4  }
0x1aa: {  	v14 =	vmov s18;
	v13 =	vand.u32 $0xFFF, v13  }
0x1ab: {  	vm0 =	vlt.s32 v14, v7;
	vm1 =	vlt.s32 v13, v11;
	vm2 =	veq.s32 v13, v11  }
0x1ac: {  	v14 =	vxor.u32 $0x80000000, v12;
	vm1 =	vmand vm0, vm1;
	vm0 =	vmand vm0, vm2  }
0x1ad: {  	v9 =	vimm.s32 $0x80000000;
	s19 =	simm.s32 $0x10;
	s18 =	simm.s32 $0x1;
	v12 =	vand.u32 $0xFF, v12;
	v13 =	vnsel vm1, $0x80000000, v14  }
.LBB2_29:
0x1ae: {  	v14 =	vor.u32 s19, v0;
	vm1 =	vgt.s32 v9, v13;
	s20 =	smov.u32 s18;
	s18 =	sadd.s32 $0x1, s18  }
0x1af: {  	p1 =	sne.s32 s13, s18;
	v9 =	vsel vm1, v9, v13;
	_ =	sdelay $0x2  }
0x1b0: {  	[tilespmem:v12+s9+$0x0] =	vst.idx.add.s32.msk vm0, v2  }
0x1b1: {  	v12 =	vld.idx.msk [tilespmem:v14+s10+$0x0], $0xffff;
	_ =	sdelay $0x5  }
.Ltmp17:
0x1b2: {  	v13 =	vshrl.u32 v12, $0x8;
	v14 =	vxor.u32 $0x80000000, v12;
	(pc) =	sbr.rel @p1 .LBB2_29-.Ltmp17, $4  }
0x1b3: {  	v15 =	vmov s20;
	v13 =	vand.u32 $0xFFF, v13  }
0x1b4: {  	vm0 =	vlt.s32 v15, v7;
	vm1 =	vlt.s32 v13, v11;
	vm2 =	veq.s32 v13, v11  }
0x1b5: {  	vm1 =	vmand vm0, vm1;
	vm0 =	vmand vm0, vm2  }
0x1b6: {  	s19 =	sadd.s32 $0x10, s19;
	v12 =	vand.u32 $0xFF, v12;
	v13 =	vnsel vm1, $0x80000000, v14  }
.LBB2_30:
0x1b7: {  	_ =	sdelay $0x2  }
0x1b8: {  	vm1 =	vgt.s32 v9, v13  }
0x1b9: {  	v9 =	vsel vm1, v9, v13  }
0x1ba: {  	[tilespmem:v12+s9+$0x0] =	vst.idx.add.s32.msk vm0, v2;
	v9 =	vxor.u32 $0x80000000, v9  }
.LBB2_31:
0x1bb: {  	v11 =	vor.u32 s17, v5;
	_ =	sdelay $0x4  }
0x1bc: {  	s17 =	simm.s32 $0x1;
	v11 =	vld.idx.msk [tilespmem:v11+s9+$0x0], $0xffff  }
.LBB2_32:
0x1bd: {  	v12 =	vor.u32 s17, v5;
	p1 =	sne.s32 s17, $0xF;
	s17 =	sadd.s32 $0x1, s17  }
.Ltmp18:
0x1be: {  	(pc) =	sbr.rel @p1 .LBB2_32-.Ltmp18, $2  }
0x1bf: {  	_ =	sdelay $0x2  }
0x1c0: {  	v10 =	vadd.s32 v10, v11;
	v11 =	vld.idx.msk [tilespmem:v12+s9+$0x0], $0xffff  }
0x1c1: {  	_ =	sdelay $0x3  }
0x1c2: {  	v10 =	vadd.s32 v10, v11  }
0x1c3: {  	v11 =	vperm.xlane v10, v4;
	_ =	sdelay $0x1  }
0x1c4: {  	(xrf0) =	vadd.scan.msk.s32 $0xffff, v11;
	_ =	sdelay $0x5  }
0x1c5: {  	v11, _, _ =	vpop (xrf0)  }
0x1c6: {  	v11 =	vperm.xlane v11, v4;
	_ =	sdelay $0x1  }
0x1c7: {  	s15 =	ssub.s32 s15, s16;
	v10 =	vsub.s32 v11, v10  }
0x1c8: {  	vm0 =	vge.s32 v11, s15;
	vm1 =	vlt.s32 v10, s15  }
0x1c9: {  	vm0 =	vmand vm0, vm1  }
0x1ca: {  	v11 =	vnsel vm0, $0x0, v0  }
0x1cb: {  	(xrf0) =	vadd.scan.msk.s32 $0xffff, v11;
	_ =	sdelay $0x5  }
0x1cc: {  	v11, _, _ =	vpop (xrf0)  }
0x1cd: {  	(v2sf) =	vpush v11, $0xF;
	_ =	sdelay $0xe  }
0x1ce: {  	s30 =	spop (v2sf)  }
0x1cf: {  	s16 =	sshll.u32 s30, $0x4  }
0x1d0: {  	v11 =	vor.u32 s16, v0;
	_ =	sdelay $0x4  }
0x1d1: {  	v12 =	vld.idx.msk [tilespmem:v11+s9+$0x0], $0xffff;
	_ =	sdelay $0x4  }
0x1d2: {  	v13 =	vperm.xlane v12, v4;
	_ =	sdelay $0x1  }
0x1d3: {  	(xrf0) =	vadd.scan.msk.s32 $0xffff, v13  }
0x1d4: {  	s31 =	simm.s32 $0x0  }
0x1d5: {  	v15 =	vor.u32 s31, v5;
	_ =	sdelay $0x3  }
0x1d6: {  	v16, _, _ =	vpop (xrf0)  }
0x1d7: {  	v14 =	vimm.s32 $0x0;
	v15 =	vld.idx.msk [tilespmem:v15+s9+$0x0], $0xffff;
	s16 =	simm.s32 $0x1;
	v13 =	vmov s15;
	v16 =	vperm.xlane v16, v4  }
.LBB2_34:
0x1d8: {  	v17 =	vor.u32 s16, v5;
	p1 =	sne.s32 s16, $0xF;
	s16 =	sadd.s32 $0x1, s16  }
.Ltmp19:
0x1d9: {  	(pc) =	sbr.rel @p1 .LBB2_34-.Ltmp19, $2  }
0x1da: {  	_ =	sdelay $0x2  }
0x1db: {  	v14 =	vadd.s32 v14, v15;
	v15 =	vld.idx.msk [tilespmem:v17+s9+$0x0], $0xffff  }
0x1dc: {  	v10 =	vnsel vm0, $0x0, v10  }
0x1dd: {  	(xrf0) =	vadd.scan.msk.s32 $0xffff, v10;
	_ =	sdelay $0x5  }
0x1de: {  	v10, _, _ =	vpop (xrf0)  }
0x1df: {  	v10 =	vbroadcast v10, $0xF;
	_ =	sdelay $0x1  }
0x1e0: {  	v10 =	vadd.s32 v16, v10  }
0x1e1: {  	v12 =	vsub.s32 v10, v12  }
0x1e2: {  	vm11 =	vge.s32 v10, v13;
	vm1 =	vlt.s32 v12, v13  }
0x1e3: {  	v10 =	vadd.s32 v14, v15;
	vm0 =	vmand vm11, vm1  }
0x1e4: {  	v60 =	vperm.xlane v10, v4;
	v11 =	vnsel vm0, $0x0, v11  }
0x1e5: {  	(xrf0) =	vadd.scan.msk.s32 $0xffff, v11  }
0x1e6: {  	(xrf0) =	vadd.scan.msk.s32 $0xffff, v60;
	_ =	sdelay $0x4  }
0x1e7: {  	v11, _, _ =	vpop (xrf0)  }
0x1e8: {  	v12, _, _ =	vpop (xrf0)  }
0x1e9: {  	v12 =	vperm.xlane v12, v4;
	_ =	sdelay $0x1  }
0x1ea: {  	s16 =	sadd.s32 $0x1, s15;
	v10 =	vsub.s32 v12, v10  }
0x1eb: {  	vm12 =	vge.s32 v12, s16;
	vm13 =	vlt.s32 v10, s16  }
0x1ec: {  	vm0 =	vmand vm12, vm13  }
0x1ed: {  	v61 =	vnsel vm0, $0x0, v0  }
0x1ee: {  	(xrf0) =	vadd.scan.msk.s32 $0xffff, v61;
	_ =	sdelay $0x5  }
0x1ef: {  	(v2sf) =	vpush v11, $0xF;
	v11, _, _ =	vpop (xrf0)  }
0x1f0: {  	(v2sf) =	vpush v11, $0xF;
	_ =	sdelay $0xd  }
0x1f1: {  	s15 =	spop (v2sf)  }
0x1f2: {  	s17 =	spop (v2sf)  }
0x1f3: {  	s17 =	sshll.u32 s17, $0x4  }
0x1f4: {  	v11 =	vor.u32 s17, v0;
	_ =	sdelay $0x4  }
0x1f5: {  	v62 =	vld.idx.msk [tilespmem:v11+s9+$0x0], $0xffff;
	_ =	sdelay $0x4  }
0x1f6: {  	v10 =	vnsel vm0, $0x0, v10;
	v63 =	vperm.xlane v62, v4  }
0x1f7: {  	(xrf0) =	vadd.scan.msk.s32 $0xffff, v10  }
0x1f8: {  	(xrf0) =	vadd.scan.msk.s32 $0xffff, v63;
	_ =	sdelay $0x4  }
0x1f9: {  	v10, _, _ =	vpop (xrf0)  }
0x1fa: {  	v13, _, _ =	vpop (xrf0)  }
0x1fb: {  	v10 =	vbroadcast v10, $0xF;
	v13 =	vperm.xlane v13, v4;
	_ =	sdelay $0x1  }
0x1fc: {  	v10 =	vadd.s32 v13, v10  }
0x1fd: {  	v12 =	vsub.s32 v10, v62  }
0x1fe: {  	vm14 =	vge.s32 v10, s16;
	vm15 =	vlt.s32 v12, s16  }
0x1ff: {  	vm0 =	vmand vm14, vm15  }
0x200: {  	v10 =	vnsel vm0, $0x0, v11  }
0x201: {  	v11 =	vsel vm0, $0x1, v1;
	(xrf0) =	vadd.scan.msk.s32 $0xffff, v10  }
0x202: {  	(xrf0) =	vadd.scan.msk.s32 $0xffff, v11;
	_ =	sdelay $0x4  }
0x203: {  	v10, _, _ =	vpop (xrf0)  }
0x204: {  	(v2sf) =	vpush v10, $0xF;
	v10, _, _ =	vpop (xrf0)  }
0x205: {  	(v2sf) =	vpush v10, $0xF;
	_ =	sdelay $0xa  }
.Ltmp20:
0x206: {  	_ = 	snop;
	(pc) =	sbr.rel @p0 .LBB2_39-.Ltmp20, $3  }
0x207: {  	_ =	sdelay $0x1  }
0x208: {  	s16 =	spop (v2sf)  }
0x209: {  	s17 =	spop (v2sf)  }
0x20a: {  	s18 =	simm.s32 $0x0  }
0x20b: {  	v10 =	vor.u32 s18, v0;
	_ =	sdelay $0x4  }
0x20c: {  	v10 =	vld.idx.msk [tilespmem:v10+s10+$0x0], $0xffff;
	_ =	sdelay $0x3  }
0x20d: {  	p0 =	sne.s32 s13, $0x1  }
.Ltmp21:
0x20e: {  	v8 =	vbroadcast v8, $0xF;
	v11 =	vshrl.u32 v10, $0x8;
	(pc) =	sbr.rel @!p0 .LBB2_38-.Ltmp21, $4  }
0x20f: {  	v12 =	vmov s18;
	v11 =	vand.u32 $0xFFF, v11  }
0x210: {  	vm0 =	vlt.s32 v12, v7;
	vm1 =	veq.s32 v11, v8  }
0x211: {  	vm0 =	vmand vm0, vm1  }
0x212: {  	s19 =	simm.s32 $0x10;
	s18 =	simm.s32 $0x1;
	v10 =	vand.u32 $0xFF, v10  }
.LBB2_37:
0x213: {  	v11 =	vor.u32 s19, v0;
	s20 =	smov.u32 s18;
	s18 =	sadd.s32 $0x1, s18  }
0x214: {  	p0 =	sne.s32 s13, s18;
	_ =	sdelay $0x2  }
0x215: {  	[tilespmem:v10+s9+$0x0] =	vst.idx.msk vm0, v1  }
0x216: {  	v10 =	vld.idx.msk [tilespmem:v11+s10+$0x0], $0xffff;
	_ =	sdelay $0x5  }
.Ltmp22:
0x217: {  	v11 =	vshrl.u32 v10, $0x8;
	(pc) =	sbr.rel @p0 .LBB2_37-.Ltmp22, $4  }
0x218: {  	v12 =	vmov s20;
	v11 =	vand.u32 $0xFFF, v11  }
0x219: {  	vm0 =	vlt.s32 v12, v7;
	vm1 =	veq.s32 v11, v8  }
0x21a: {  	vm0 =	vmand vm0, vm1  }
0x21b: {  	s19 =	sadd.s32 $0x10, s19;
	v10 =	vand.u32 $0xFF, v10  }
.LBB2_38:
0x21c: {  	_ =	sdelay $0x4  }
0x21d: {  	[tilespmem:v10+s9+$0x0] =	vst.idx.msk vm0, v1  }
.LBB2_39:
0x21e: {  	v7 =	vld [tilespmem:$0x11000];
	_ =	sdelay $0x4  }
0x21f: {  	v7 =	vxor.u32 $0x80000000, v7  }
0x220: {  	(xrf0) =	vmax.scan.msk.u32 $0xffff, v7  }
0x221: {  	(xrf0) =	vmax.scan.msk.u32 $0xffff, v9;
	_ =	sdelay $0x4  }
0x222: {  	v7, _, _ =	vpop (xrf0)  }
0x223: {  	(v2sf) =	vpush v7, $0xF;
	v7, _, _ =	vpop (xrf0)  }
0x224: {  	(v2sf) =	vpush v7, $0xF;
	_ =	sdelay $0xd  }
0x225: {  	s13 =	spop (v2sf)  }
0x226: {  	s12 =	sshll.u32 s12, $0x14;
	s18 =	spop (v2sf)  }
0x227: {  	s14 =	sshll.u32 s14, $0x8;
	s13 =	sxor.u32 $0x80000000, s13;
	s18 =	sxor.u32 $0x80000000, s18  }
0x228: {  	s12 =	sor.u32 s12, s14;
	p0 =	sgt.s32 s13, s18  }
0x229: {  	s14 =	sor.u32 s12, s15;
	s18 =	smov.u32 @p0 s13  }
0x22a: {  	s12 =	sor.u32 s12, s16;
	p0 =	sgt.s32 s17, $0x0;
	s13 =	sxor.u32 $0x80000000, s18  }
0x22b: {  	s15 =	simm.s32 $0xFFFFFFFF;
	s13 =	smov.u32 @p0 s12  }
0x22c: {  	p0 =	sgt.s32 s14, $0xFFFFFFFF;
	s12 =	simm.s32 $0xFFFFFFFF;
	p1 =	sgt.s32 s13, $0xFFFFFFFF  }
0x22d: {  	s12 =	simm.s32 @!p0 $0x80000000;
	s15 =	simm.s32 @!p1 $0x80000000  }
0x22e: {  	s14 =	sxor.u32 s14, s12;
	s12 =	simm.s32 $0x0;
	s13 =	sxor.u32 s13, s15  }
0x22f: {  	v9 =	vld [tilespmem:s12+$0x0];
	s13 =	sadd.f32 s13, s14  }
0x230: {  	v11 =	vld [tilespmem:s12+$0x10]  }
0x231: {  	v12 =	vld [tilespmem:s12+$0x20];
	s13 =	smul.f32 $5.000000000e-01, s13  }
0x232: {  	v10 =	vld [tilespmem:s12+$0x30]  }
0x233: {  	v8 =	vld [tilespmem:s12+$0x40];
	v7 =	vmov s13  }
0x234: {  	vm0 =	vgt.f32 v9, v7;
	v9 =	vld [tilespmem:s12+$0x50]  }
0x235: {  	s13 =	simm.s32 $0x200;
	v13 =	vsel vm0, $0x3F800000, v6;
	vm0 =	vgt.f32 v11, v7;
	v11 =	vld [tilespmem:s12+$0x60]  }
.LBB2_40:
0x236: {  	s14 =	sshra.s32 s13, $0x2;
	p0 =	sne.s32 s13, $0x1FE00;
	[tilespmem:s12+$0x0] =	vst v13;
	v13 =	vsel vm0, $0x3F800000, v6;
	vm0 =	vgt.f32 v12, v7;
	v14 =	vld [tilespmem:s12+$0x70]  }
0x237: {  	v15 =	vld [tilespmem:s14+$0x0];
	[tilespmem:s12+$0x10] =	vst v13;
	v12 =	vsel vm0, $0x3F800000, v6;
	vm0 =	vgt.f32 v10, v7  }
0x238: {  	v16 =	vld [tilespmem:s14+$0x10];
	[tilespmem:s12+$0x20] =	vst v12;
	v10 =	vsel vm0, $0x3F800000, v6;
	vm0 =	vgt.f32 v8, v7  }
.Ltmp23:
0x239: {  	v12 =	vld [tilespmem:s14+$0x20];
	[tilespmem:s12+$0x30] =	vst v10;
	v8 =	vsel vm0, $0x3F800000, v6;
	vm0 =	vgt.f32 v9, v7;
	(pc) =	sbr.rel @p0 .LBB2_40-.Ltmp23, $4  }
0x23a: {  	v10 =	vld [tilespmem:s14+$0x30];
	[tilespmem:s12+$0x40] =	vst v8;
	v9 =	vsel vm0, $0x3F800000, v6;
	vm0 =	vgt.f32 v11, v7  }
0x23b: {  	v8 =	vld [tilespmem:s14+$0x40];
	[tilespmem:s12+$0x50] =	vst v9;
	v11 =	vsel vm0, $0x3F800000, v6;
	vm0 =	vgt.f32 v14, v7  }
0x23c: {  	vm1 =	vgt.f32 v15, v7;
	v9 =	vld [tilespmem:s14+$0x50];
	[tilespmem:s12+$0x60] =	vst v11;
	v14 =	vsel vm0, $0x3F800000, v6  }
0x23d: {  	s13 =	sadd.s32 $0x200, s13;
	v13 =	vsel vm1, $0x3F800000, v6;
	vm0 =	vgt.f32 v16, v7;
	v11 =	vld [tilespmem:s14+$0x60];
	[tilespmem:s12+$0x70] =	vst v14;
	s12 =	smov.u32 s14  }
0x23e: {  	[tilespmem:s12+$0x0] =	vst v13;
	v61 =	vsel vm0, $0x3F800000, v6;
	vm10 =	vgt.f32 v12, v7;
	v62 =	vld [tilespmem:s12+$0x70]  }
0x23f: {  	[tilespmem:s12+$0x10] =	vst v61;
	v63 =	vsel vm10, $0x3F800000, v6;
	vm11 =	vgt.f32 v10, v7  }
0x240: {  	[tilespmem:s12+$0x20] =	vst v63;
	v10 =	vsel vm11, $0x3F800000, v6;
	vm12 =	vgt.f32 v8, v7  }
0x241: {  	[tilespmem:s12+$0x30] =	vst v10;
	v8 =	vsel vm12, $0x3F800000, v6;
	vm13 =	vgt.f32 v9, v7  }
0x242: {  	[tilespmem:s12+$0x40] =	vst v8;
	v8 =	vsel vm13, $0x3F800000, v6;
	vm14 =	vgt.f32 v11, v7  }
0x243: {  	s11 =	sadd.s32 $0x1, s11;
	[tilespmem:s12+$0x50] =	vst v8;
	v8 =	vsel vm14, $0x3F800000, v6;
	vm15 =	vgt.f32 v62, v7  }
0x244: {  	p0 =	sne.s32 s11, s5;
	[tilespmem:s12+$0x60] =	vst v8;
	v7 =	vsel vm15, $0x3F800000, v6  }
.Ltmp24:
0x245: {  	[tilespmem:s12+$0x70] =	vst v7;
	(pc) =	sbr.rel @p0 .LBB2_1-.Ltmp24, $4  }
0x246: {  	[hbm4b:s4+s6] =	stream.strided.scatter [tilespmem:s2], [sflag:$0x1], $0x8000, s7, s6, $0x38;
	[tilespmem:$0x11080] =	vst v63  }
0x247: {  	_ =	swait.ge [sflag:s8], $0x8000  }
0x248: {  	[sflag:s8] =	ssyncset.done $0x0  }
0x249: {  	[sflag:s8] =	ssyncadd.s32 $0xFFFF8000  }
0x24a: {  	_ =	sfence.sel $0x180000  }
0x24b: {  	[bflag:$0x0] =	sbarrier.arrive $0xFFFF  }
0x24c: {  	p0 =	sne.s32 s1, $0x0;
	_ =	strace $0x90000047  }
0x24d: {  	s0 =	sadd.s32 @!p0 $0x100000, s0;
	[bflag:$0x2] =	sbarrier.arrive $0xFFFF  }
0x24e: {  	[sflag:s0] =	ssyncadd.tile.s32 @!p0 $0x1;
	_ =	shalt  }
.Lfunc_end2:
_tile_overlayer_lowered:
.L_overlay_start_2:
0x24f: {  	(tag) =	ssettag $0x2  }
0x250: {  	s0 =	rddreg [dreg:$0x0];
	s2 =	stileid.u32  }
0x251: {  	s1 =	rddreg [dreg:$0x1];
	p0 =	sne.s32 s2, $0x0  }
0x252: {  	s3 =	rddreg [dreg:$0x2];
	[bflag:$0x3] =	sbarrier.arrive $0xFFFF;
	s2 =	simm.s32 @!p0 $0x1C01  }
0x253: {  	[timem:s3], [sflag:s2] =	dma.local @!p0 [hbm:s0], s1  }
0x254: {  	s0 =	simm.s32 @!p0 $0x1  }
0x255: {  	_ =	swait.ge @!p0 [sflag:s0], s1  }
0x256: {  	s1 =	ssub.s32 @!p0 $0x0, s1;
	[sflag:s0] =	ssyncset.done @!p0 $0x0  }
0x257: {  	[sflag:s0] =	ssyncadd.s32 @!p0 s1  }
0x258: {  	[bflag:$0x3] =	sbarrier.arrive $0xFFFF  }
0x259: {  	_ =	shalt  }

</sc_bundles>
